<compile_context>
chip_gen: v7x
topology: tpu7x:2x2x1
jax: 0.10.2.dev20260603
libtpu: 0.0.44.dev20260713+nightly
codegen_flags: <defaults>
</compile_context>

<pallas_src>
import functools

import jax
import jax.numpy as jnp
from jax import lax
from jax.experimental import pallas as pl
from jax.experimental.pallas import tpu as pltpu
from jax.experimental.pallas import tpu_sc as plsc

N_NODES = 100000
D_FEAT = 128
HIDDEN = 64
HP = HIDDEN // 2
S = 5
BATCH = 16384

NC = 2
NS = 16
L = 16
NW = NC * NS

_MASK_HI = -65536
_MASK_LO = 65535
_RND = 32768


def _i32(x, v):
    return jnp.full(x.shape, v, jnp.int32)


def _pack_pair_i32(lo_f32, hi_f32):
    il = lax.bitcast_convert_type(lo_f32, jnp.int32)
    ih = lax.bitcast_convert_type(hi_f32, jnp.int32)
    wl = lax.shift_right_arithmetic(il + _i32(il, _RND), _i32(il, 16))
    wl = wl & _i32(wl, _MASK_LO)
    wh = (ih + _i32(ih, _RND)) & _i32(ih, _MASK_HI)
    return wl | wh


def _unpack_pair_f32(w_i32):
    lo = lax.bitcast_convert_type(
        lax.shift_left(w_i32, _i32(w_i32, 16)), jnp.float32)
    hi = lax.bitcast_convert_type(w_i32 & _i32(w_i32, _MASK_HI), jnp.float32)
    return lo, hi


_PROJ_BLK = 2000


def _proj_body(x_ref, wa_ref, wb_ref, pa_ref, pb_ref):
    x = x_ref[...]
    dn = (((1,), (1,)), ((), ()))
    for w_ref, o_ref in ((wa_ref, pa_ref), (wb_ref, pb_ref)):
        p = lax.dot_general(x, w_ref[...], dn,
                            preferred_element_type=jnp.float32)
        w = _pack_pair_i32(p[:, :HP], p[:, HP:])
        o_ref[...] = lax.bitcast_convert_type(w, jnp.float32)


def _project(features, w1a, w1b):
    grid = (N_NODES // _PROJ_BLK,)
    return pl.pallas_call(
        _proj_body,
        grid=grid,
        in_specs=[
            pl.BlockSpec((_PROJ_BLK, D_FEAT), lambda i: (i, 0)),
            pl.BlockSpec((HIDDEN, D_FEAT), lambda i: (0, 0)),
            pl.BlockSpec((HIDDEN, D_FEAT), lambda i: (0, 0)),
        ],
        out_specs=[
            pl.BlockSpec((_PROJ_BLK, HP), lambda i: (i, 0)),
            pl.BlockSpec((_PROJ_BLK, HP), lambda i: (i, 0)),
        ],
        out_shape=[jax.ShapeDtypeStruct((N_NODES, HP), jnp.float32)] * 2,
    )(features, w1a, w1b)


_CH1 = 160
_NCH1 = N_NODES // _CH1
_ITERS1 = -(-_NCH1 // NW)

_sc_mesh = plsc.VectorSubcoreMesh(core_axis_name="c", subcore_axis_name="s")
_sc_params = pltpu.CompilerParams(use_tc_tiling_on_sc=False)


@functools.partial(
    pl.kernel,
    out_type=jax.ShapeDtypeStruct((N_NODES, HP), jnp.float32),
    mesh=_sc_mesh,
    compiler_params=_sc_params,
    scratch_types=(
        [pltpu.VMEM((_CH1,), jnp.int32) for _ in range(S)]
        + [pltpu.VMEM((_CH1, HP), jnp.float32) for _ in range(S)]
        + [
            pltpu.VMEM((_CH1, HP), jnp.float32),
            pltpu.VMEM((_CH1, HP), jnp.float32),
            pltpu.SemaphoreType.DMA,
        ]
    ),
)
def _agg1(pa_hbm, pb_hbm, n0, n1, n2, n3, n4, h1_hbm,
          i0, i1, i2, i3, i4, r0, r1, r2, r3, r4, pa_v, out_v, sem):
    ncols = (n0, n1, n2, n3, n4)
    idx_v = (i0, i1, i2, i3, i4)
    rows_v = (r0, r1, r2, r3, r4)
    wid = lax.axis_index("s") * NC + lax.axis_index("c")

    def chunk_body(i, carry):
        k = i * NW + wid

        @pl.when(k < _NCH1)
        def _():
            base = k * _CH1
            for s in range(S):
                pltpu.sync_copy(ncols[s].at[pl.ds(base, _CH1)], idx_v[s])
            pltpu.sync_copy(pa_hbm.at[pl.ds(base, _CH1)], pa_v)
            cps = [pltpu.async_copy(pb_hbm.at[idx_v[s]], rows_v[s], sem)
                   for s in range(S)]
            for cp in cps:
                cp.wait()

            def node_body(c, carry2):
                for g in range(HP // L):
                    sl = pl.ds(g * L, L)
                    slo = shi = None
                    for s in range(S):
                        w = lax.bitcast_convert_type(rows_v[s][c, sl],
                                                     jnp.int32)
                        lo, hi = _unpack_pair_f32(w)
                        slo = lo if slo is None else slo + lo
                        shi = hi if shi is None else shi + hi
                    pw = lax.bitcast_convert_type(pa_v[c, sl], jnp.int32)
                    plo, phi = _unpack_pair_f32(pw)
                    h_lo = jnp.maximum(plo + 0.2 * slo, 0.0)
                    h_hi = jnp.maximum(phi + 0.2 * shi, 0.0)
                    out_v[c, sl] = lax.bitcast_convert_type(
                        _pack_pair_i32(h_lo, h_hi), jnp.float32)
                return carry2

            lax.fori_loop(0, _CH1, node_body, 0)
            pltpu.sync_copy(out_v, h1_hbm.at[pl.ds(base, _CH1)])

        return carry

    lax.fori_loop(0, _ITERS1, chunk_body, 0)


_CH2 = 256
_ITERS2 = BATCH // (NW * _CH2)


@functools.partial(
    pl.kernel,
    out_type=[jax.ShapeDtypeStruct((BATCH, HP), jnp.float32)] * 2,
    mesh=_sc_mesh,
    compiler_params=_sc_params,
    scratch_types=(
        [pltpu.VMEM((_CH2,), jnp.int32)]
        + [pltpu.VMEM((_CH2,), jnp.int32) for _ in range(S)]
        + [pltpu.VMEM((_CH2, HP), jnp.float32) for _ in range(S)]
        + [
            pltpu.VMEM((_CH2, HP), jnp.float32),
            pltpu.VMEM((_CH2, HP), jnp.float32),
            pltpu.SemaphoreType.DMA,
        ]
    ),
)
def _agg2(nodes_hbm, h1_hbm, n0, n1, n2, n3, n4, gs_hbm, gn_hbm,
          nd_v, m0, m1, m2, m3, m4, r0, r1, r2, r3, r4, self_v, gn_v, sem):
    ncols = (n0, n1, n2, n3, n4)
    n2_v = (m0, m1, m2, m3, m4)
    rows_v = (r0, r1, r2, r3, r4)
    wid = lax.axis_index("s") * NC + lax.axis_index("c")

    def chunk_body(i, carry):
        k = i * NW + wid
        base = k * _CH2
        pltpu.sync_copy(nodes_hbm.at[pl.ds(base, _CH2)], nd_v)
        cps = [pltpu.async_copy(ncols[s].at[nd_v], n2_v[s], sem)
               for s in range(S)]
        cps.append(pltpu.async_copy(h1_hbm.at[nd_v], self_v, sem))
        for cp in cps:
            cp.wait()
        cps = [pltpu.async_copy(h1_hbm.at[n2_v[s]], rows_v[s], sem)
               for s in range(S)]
        for cp in cps:
            cp.wait()
        pltpu.sync_copy(self_v, gs_hbm.at[pl.ds(base, _CH2)])

        def node_body(c, carry2):
            for g in range(HP // L):
                sl = pl.ds(g * L, L)
                slo = shi = None
                for s in range(S):
                    w = lax.bitcast_convert_type(rows_v[s][c, sl], jnp.int32)
                    lo, hi = _unpack_pair_f32(w)
                    slo = lo if slo is None else slo + lo
                    shi = hi if shi is None else shi + hi
                gn_v[c, sl] = lax.bitcast_convert_type(
                    _pack_pair_i32(0.2 * slo, 0.2 * shi), jnp.float32)
            return carry2

        lax.fori_loop(0, _CH2, node_body, 0)
        pltpu.sync_copy(gn_v, gn_hbm.at[pl.ds(base, _CH2)])
        return carry

    lax.fori_loop(0, _ITERS2, chunk_body, 0)


_HEAD_BLK = 2048


def _head_body(gs_ref, gn_ref, w2al_ref, w2ah_ref, w2bl_ref, w2bh_ref,
               wc_ref, out_ref):
    dn = (((1,), (1,)), ((), ()))
    acc = None
    for g_ref, wl_ref, wh_ref in ((gs_ref, w2al_ref, w2ah_ref),
                                  (gn_ref, w2bl_ref, w2bh_ref)):
        w = lax.bitcast_convert_type(g_ref[...], jnp.int32)
        lo, hi = _unpack_pair_f32(w)
        part = lax.dot_general(lo, wl_ref[...], dn,
                               preferred_element_type=jnp.float32)
        part = part + lax.dot_general(hi, wh_ref[...], dn,
                                      preferred_element_type=jnp.float32)
        acc = part if acc is None else acc + part
    h = jnp.maximum(acc, 0.0)
    out_ref[...] = lax.dot_general(h, wc_ref[...], dn,
                                   preferred_element_type=jnp.float32)


def _head(gs, gn, w2al, w2ah, w2bl, w2bh, wc, num_classes):
    grid = (BATCH // _HEAD_BLK,)
    wspec = pl.BlockSpec((HIDDEN, HP), lambda i: (0, 0))
    return pl.pallas_call(
        _head_body,
        grid=grid,
        in_specs=[
            pl.BlockSpec((_HEAD_BLK, HP), lambda i: (i, 0)),
            pl.BlockSpec((_HEAD_BLK, HP), lambda i: (i, 0)),
            wspec, wspec, wspec, wspec,
            pl.BlockSpec((num_classes, HIDDEN), lambda i: (0, 0)),
        ],
        out_specs=pl.BlockSpec((_HEAD_BLK, num_classes), lambda i: (i, 0)),
        out_shape=jax.ShapeDtypeStruct((BATCH, num_classes), jnp.float32),
    )(gs, gn, w2al, w2ah, w2bl, w2bh, wc)


def kernel(nodes, features, neigh_idx, W1, W2, Wc):
    w1a = W1[:, :D_FEAT]
    w1b = W1[:, D_FEAT:]
    w2a = W2[:, :HIDDEN]
    w2b = W2[:, HIDDEN:]
    w2al, w2ah = w2a[:, :HP], w2a[:, HP:]
    w2bl, w2bh = w2b[:, :HP], w2b[:, HP:]
    ncols = [neigh_idx[:, s] for s in range(S)]

    pa, pb = _project(features, w1a, w1b)
    h1 = _agg1(pa, pb, *ncols)
    gs, gn = _agg2(nodes, h1, *ncols)
    return _head(gs, gn, w2al, w2ah, w2bl, w2bh, Wc, Wc.shape[0])

# --- scband reference (transcript-rebuilt; emitter-appended) ---
"""Pipeline reference for scband-supervised-graph-sage-75204877353219 (READ-ONLY COPY).

The authoritative reference and input builder live on the scoring server;
editing this copy changes nothing except your own understanding.
"""

import jax, jax.numpy as jnp
import numpy as np

N_NODES = 100000
D_FEAT = 128
HIDDEN = 64
NUM_CLASSES = 16
NUM_SAMPLES = 5
BATCH = 16384


def setup_inputs(seed: int = 0) -> dict:
    key = jax.random.key(seed)
    k1, k2, k3, k4, k5, k6 = jax.random.split(key, 6)
    nodes = jax.random.randint(k1, (BATCH,), 0, N_NODES, dtype=jnp.int32)
    # feat_data: frozen feature embedding table (nn.Embedding weight, requires_grad=False)
    features = jax.random.normal(k2, (N_NODES, D_FEAT), dtype=jnp.float32)
    # adj_lists with fixed-fanout neighbor sampling (num_samples=5), precomputed as a dense neighbor matrix
    neigh_idx = jax.random.randint(k3, (N_NODES, NUM_SAMPLES), 0, N_NODES, dtype=jnp.int32)
    # Encoder layer-1 weight: [hidden, 2*d_feat] (gcn=False => concat self + neigh mean)
    W1 = jax.random.normal(k4, (HIDDEN, 2 * D_FEAT), dtype=jnp.float32) * (1.0 / np.sqrt(2 * D_FEAT))
    # Encoder layer-2 weight: [hidden, 2*hidden]
    W2 = jax.random.normal(k5, (HIDDEN, 2 * HIDDEN), dtype=jnp.float32) * (1.0 / np.sqrt(2 * HIDDEN))
    # Classification weight: [num_classes, hidden] (xavier)
    Wc = jax.random.normal(k6, (NUM_CLASSES, HIDDEN), dtype=jnp.float32) * (1.0 / np.sqrt(HIDDEN))
    return {"nodes": nodes, "features": features, "neigh_idx": neigh_idx, "W1": W1, "W2": W2, "Wc": Wc}


def reference(nodes, features, neigh_idx, W1, W2, Wc):
    def enc1(idx):
        # MeanAggregator over sampled neighbors + Encoder (gcn=False): concat(self, neigh_mean)
        m = idx.shape[0]
        neighs = jnp.take(neigh_idx, idx, axis=0)  # [M, S]
        neigh_feats = jnp.take(features, neighs.reshape(-1), axis=0).reshape(m, NUM_SAMPLES, D_FEAT)
        neigh_mean = neigh_feats.mean(axis=1)  # [M, D]
        self_feats = jnp.take(features, idx, axis=0)  # [M, D]
        combined = jnp.concatenate([self_feats, neigh_mean], axis=1)  # [M, 2D]
        return jax.nn.relu(W1 @ combined.T)  # [HIDDEN, M]

    b = nodes.shape[0]
    # second hop: sampled neighbors of the batch nodes
    neighs2 = jnp.take(neigh_idx, nodes, axis=0)  # [B, S]
    h1_neigh = enc1(neighs2.reshape(-1)).T.reshape(b, NUM_SAMPLES, HIDDEN).mean(axis=1)  # [B, HIDDEN]
    h1_self = enc1(nodes).T  # [B, HIDDEN]
    combined2 = jnp.concatenate([h1_self, h1_neigh], axis=1)  # [B, 2*HIDDEN]
    embeds = jax.nn.relu(W2 @ combined2.T)  # [HIDDEN, B]
    scores = Wc @ embeds  # [C, B]
    return scores.T  # [B, C]

if __name__ == "__main__":
    import jax
    _d = setup_inputs()
    print(jax.jit(kernel)(*tuple(_d.values())))

</pallas_src>

<mosaic_0001>
#map = affine_map<(d0, d1) -> (0, 0)>
#map1 = affine_map<(d0, d1) -> (0)>
module attributes {stable_mosaic.version = 14 : i64} {
  func.func @_agg1(%arg0: i32, %arg1: i32, %arg2: memref<100000x32xf32, #tpu.memory_space<hbm>>, %arg3: memref<100000x32xf32, #tpu.memory_space<hbm>>, %arg4: memref<100000xi32, #tpu.memory_space<hbm>>, %arg5: memref<100000xi32, #tpu.memory_space<hbm>>, %arg6: memref<100000xi32, #tpu.memory_space<hbm>>, %arg7: memref<100000xi32, #tpu.memory_space<hbm>>, %arg8: memref<100000xi32, #tpu.memory_space<hbm>>, %arg9: memref<100000x32xf32, #tpu.memory_space<hbm>>, %arg10: memref<160xi32, #tpu.memory_space<vmem>>, %arg11: memref<160xi32, #tpu.memory_space<vmem>>, %arg12: memref<160xi32, #tpu.memory_space<vmem>>, %arg13: memref<160xi32, #tpu.memory_space<vmem>>, %arg14: memref<160xi32, #tpu.memory_space<vmem>>, %arg15: memref<160x32xf32, #tpu.memory_space<vmem>>, %arg16: memref<160x32xf32, #tpu.memory_space<vmem>>, %arg17: memref<160x32xf32, #tpu.memory_space<vmem>>, %arg18: memref<160x32xf32, #tpu.memory_space<vmem>>, %arg19: memref<160x32xf32, #tpu.memory_space<vmem>>, %arg20: memref<160x32xf32, #tpu.memory_space<vmem>>, %arg21: memref<160x32xf32, #tpu.memory_space<vmem>>, %arg22: memref<!tpu.dma_semaphore, #tpu.memory_space<semaphore_mem>>) attributes {dimension_semantics = [#tpu.dimension_semantics<core_parallel>, #tpu.dimension_semantics<subcore_parallel>], iteration_bounds = array<i64: 2, 16>, scalar_prefetch = 0 : i64, scratch_operands = 13 : i64, tpu.core_type = #tpu.core_type<sc_vector_subcore>, window_params = [{transform_indices = #map}, {transform_indices = #map}, {transform_indices = #map1}, {transform_indices = #map1}, {transform_indices = #map1}, {transform_indices = #map1}, {transform_indices = #map1}, {transform_indices = #map}]} {
    %mul3A = arith.constant 2 : i32
    %mul3A_0 = arith.muli %arg1, %mul3A : i32
    %add3A = arith.addi %mul3A_0, %arg0 : i32
    %scan3A = arith.constant 0 : i32
    %scan3A_1 = arith.constant 0 : i32
    %scan3A_2 = arith.constant 20 : i32
    %scan3A_3 = arith.addi %scan3A_1, %scan3A_2 : i32
    %scan3A_4 = arith.constant 1 : i32
    scf.for %scan3A_6 = %scan3A_1 to %scan3A_3 step %scan3A_4  : i32 {
      %mul3A_7 = arith.constant 32 : i32
      %mul3A_8 = arith.muli %scan3A_6, %mul3A_7 : i32
      %add3A_9 = arith.addi %mul3A_8, %add3A : i32
      %lt3A = arith.constant 625 : i32
      %lt3A_10 = arith.cmpi slt, %add3A_9, %lt3A : i32
      %convert_element_type3A = arith.extui %lt3A_10 : i1 to i32
      %cond3A = arith.constant 0 : i32
      %cond3A_11 = arith.cmpi ne, %convert_element_type3A, %cond3A : i32
      scf.if %cond3A_11 {
        %mul3A_12 = arith.constant 160 : i32
        %mul3A_13 = arith.muli %add3A_9, %mul3A_12 : i32
        "tpu.region"() ({
          %run_scoped3A = tpu.sem_alloc : memref<!tpu.dma_semaphore, #tpu.memory_space<semaphore_mem>>
          %dma_start3A_48 = tpu.memref_slice %arg4[%mul3A_13] : memref<100000xi32, #tpu.memory_space<hbm>> -> memref<160xi32, #tpu.memory_space<hbm>>
          %dma_start3A_49 = tpu.memref_slice %arg4[%mul3A_13] : memref<100000xi32, #tpu.memory_space<hbm>> -> memref<160xi32, #tpu.memory_space<hbm>>
          tpu.enqueue_dma source(%dma_start3A_49 : memref<160xi32, #tpu.memory_space<hbm>>) target(%arg10 : memref<160xi32, #tpu.memory_space<vmem>>) target_semaphore(%run_scoped3A : memref<!tpu.dma_semaphore, #tpu.memory_space<semaphore_mem>>)
          %dma_wait3A_50 = tpu.memref_slice %arg4[%mul3A_13] : memref<100000xi32, #tpu.memory_space<hbm>> -> memref<160xi32, #tpu.memory_space<hbm>>
          %dma_wait3A_51 = tpu.memref_slice %arg4[%mul3A_13] : memref<100000xi32, #tpu.memory_space<hbm>> -> memref<160xi32, #tpu.memory_space<hbm>>
          tpu.wait_dma2 semaphore(%run_scoped3A : memref<!tpu.dma_semaphore, #tpu.memory_space<semaphore_mem>>) src(%dma_wait3A_51 : memref<160xi32, #tpu.memory_space<hbm>>) dst(%arg10 : memref<160xi32, #tpu.memory_space<vmem>>)
          tpu.yield
        }) : () -> ()
        "tpu.region"() ({
          %run_scoped3A = tpu.sem_alloc : memref<!tpu.dma_semaphore, #tpu.memory_space<semaphore_mem>>
          %dma_start3A_48 = tpu.memref_slice %arg5[%mul3A_13] : memref<100000xi32, #tpu.memory_space<hbm>> -> memref<160xi32, #tpu.memory_space<hbm>>
          %dma_start3A_49 = tpu.memref_slice %arg5[%mul3A_13] : memref<100000xi32, #tpu.memory_space<hbm>> -> memref<160xi32, #tpu.memory_space<hbm>>
          tpu.enqueue_dma source(%dma_start3A_49 : memref<160xi32, #tpu.memory_space<hbm>>) target(%arg11 : memref<160xi32, #tpu.memory_space<vmem>>) target_semaphore(%run_scoped3A : memref<!tpu.dma_semaphore, #tpu.memory_space<semaphore_mem>>)
          %dma_wait3A_50 = tpu.memref_slice %arg5[%mul3A_13] : memref<100000xi32, #tpu.memory_space<hbm>> -> memref<160xi32, #tpu.memory_space<hbm>>
          %dma_wait3A_51 = tpu.memref_slice %arg5[%mul3A_13] : memref<100000xi32, #tpu.memory_space<hbm>> -> memref<160xi32, #tpu.memory_space<hbm>>
          tpu.wait_dma2 semaphore(%run_scoped3A : memref<!tpu.dma_semaphore, #tpu.memory_space<semaphore_mem>>) src(%dma_wait3A_51 : memref<160xi32, #tpu.memory_space<hbm>>) dst(%arg11 : memref<160xi32, #tpu.memory_space<vmem>>)
          tpu.yield
        }) : () -> ()
        "tpu.region"() ({
          %run_scoped3A = tpu.sem_alloc : memref<!tpu.dma_semaphore, #tpu.memory_space<semaphore_mem>>
          %dma_start3A_48 = tpu.memref_slice %arg6[%mul3A_13] : memref<100000xi32, #tpu.memory_space<hbm>> -> memref<160xi32, #tpu.memory_space<hbm>>
          %dma_start3A_49 = tpu.memref_slice %arg6[%mul3A_13] : memref<100000xi32, #tpu.memory_space<hbm>> -> memref<160xi32, #tpu.memory_space<hbm>>
          tpu.enqueue_dma source(%dma_start3A_49 : memref<160xi32, #tpu.memory_space<hbm>>) target(%arg12 : memref<160xi32, #tpu.memory_space<vmem>>) target_semaphore(%run_scoped3A : memref<!tpu.dma_semaphore, #tpu.memory_space<semaphore_mem>>)
          %dma_wait3A_50 = tpu.memref_slice %arg6[%mul3A_13] : memref<100000xi32, #tpu.memory_space<hbm>> -> memref<160xi32, #tpu.memory_space<hbm>>
          %dma_wait3A_51 = tpu.memref_slice %arg6[%mul3A_13] : memref<100000xi32, #tpu.memory_space<hbm>> -> memref<160xi32, #tpu.memory_space<hbm>>
          tpu.wait_dma2 semaphore(%run_scoped3A : memref<!tpu.dma_semaphore, #tpu.memory_space<semaphore_mem>>) src(%dma_wait3A_51 : memref<160xi32, #tpu.memory_space<hbm>>) dst(%arg12 : memref<160xi32, #tpu.memory_space<vmem>>)
          tpu.yield
        }) : () -> ()
        "tpu.region"() ({
          %run_scoped3A = tpu.sem_alloc : memref<!tpu.dma_semaphore, #tpu.memory_space<semaphore_mem>>
          %dma_start3A_48 = tpu.memref_slice %arg7[%mul3A_13] : memref<100000xi32, #tpu.memory_space<hbm>> -> memref<160xi32, #tpu.memory_space<hbm>>
          %dma_start3A_49 = tpu.memref_slice %arg7[%mul3A_13] : memref<100000xi32, #tpu.memory_space<hbm>> -> memref<160xi32, #tpu.memory_space<hbm>>
          tpu.enqueue_dma source(%dma_start3A_49 : memref<160xi32, #tpu.memory_space<hbm>>) target(%arg13 : memref<160xi32, #tpu.memory_space<vmem>>) target_semaphore(%run_scoped3A : memref<!tpu.dma_semaphore, #tpu.memory_space<semaphore_mem>>)
          %dma_wait3A_50 = tpu.memref_slice %arg7[%mul3A_13] : memref<100000xi32, #tpu.memory_space<hbm>> -> memref<160xi32, #tpu.memory_space<hbm>>
          %dma_wait3A_51 = tpu.memref_slice %arg7[%mul3A_13] : memref<100000xi32, #tpu.memory_space<hbm>> -> memref<160xi32, #tpu.memory_space<hbm>>
          tpu.wait_dma2 semaphore(%run_scoped3A : memref<!tpu.dma_semaphore, #tpu.memory_space<semaphore_mem>>) src(%dma_wait3A_51 : memref<160xi32, #tpu.memory_space<hbm>>) dst(%arg13 : memref<160xi32, #tpu.memory_space<vmem>>)
          tpu.yield
        }) : () -> ()
        "tpu.region"() ({
          %run_scoped3A = tpu.sem_alloc : memref<!tpu.dma_semaphore, #tpu.memory_space<semaphore_mem>>
          %dma_start3A_48 = tpu.memref_slice %arg8[%mul3A_13] : memref<100000xi32, #tpu.memory_space<hbm>> -> memref<160xi32, #tpu.memory_space<hbm>>
          %dma_start3A_49 = tpu.memref_slice %arg8[%mul3A_13] : memref<100000xi32, #tpu.memory_space<hbm>> -> memref<160xi32, #tpu.memory_space<hbm>>
          tpu.enqueue_dma source(%dma_start3A_49 : memref<160xi32, #tpu.memory_space<hbm>>) target(%arg14 : memref<160xi32, #tpu.memory_space<vmem>>) target_semaphore(%run_scoped3A : memref<!tpu.dma_semaphore, #tpu.memory_space<semaphore_mem>>)
          %dma_wait3A_50 = tpu.memref_slice %arg8[%mul3A_13] : memref<100000xi32, #tpu.memory_space<hbm>> -> memref<160xi32, #tpu.memory_space<hbm>>
          %dma_wait3A_51 = tpu.memref_slice %arg8[%mul3A_13] : memref<100000xi32, #tpu.memory_space<hbm>> -> memref<160xi32, #tpu.memory_space<hbm>>
          tpu.wait_dma2 semaphore(%run_scoped3A : memref<!tpu.dma_semaphore, #tpu.memory_space<semaphore_mem>>) src(%dma_wait3A_51 : memref<160xi32, #tpu.memory_space<hbm>>) dst(%arg14 : memref<160xi32, #tpu.memory_space<vmem>>)
          tpu.yield
        }) : () -> ()
        "tpu.region"() ({
          %run_scoped3A = tpu.sem_alloc : memref<!tpu.dma_semaphore, #tpu.memory_space<semaphore_mem>>
          %dma_start3A_48 = arith.constant 0 : i32
          %dma_start3A_49 = tpu.memref_slice %arg2[%mul3A_13, %dma_start3A_48] : memref<100000x32xf32, #tpu.memory_space<hbm>> -> memref<160x32xf32, #tpu.memory_space<hbm>>
          %dma_start3A_50 = arith.constant 0 : i32
          %dma_start3A_51 = tpu.memref_slice %arg2[%mul3A_13, %dma_start3A_50] : memref<100000x32xf32, #tpu.memory_space<hbm>> -> memref<160x32xf32, #tpu.memory_space<hbm>>
          tpu.enqueue_dma source(%dma_start3A_51 : memref<160x32xf32, #tpu.memory_space<hbm>>) target(%arg20 : memref<160x32xf32, #tpu.memory_space<vmem>>) target_semaphore(%run_scoped3A : memref<!tpu.dma_semaphore, #tpu.memory_space<semaphore_mem>>)
          %dma_wait3A_52 = arith.constant 0 : i32
          %dma_wait3A_53 = tpu.memref_slice %arg2[%mul3A_13, %dma_wait3A_52] : memref<100000x32xf32, #tpu.memory_space<hbm>> -> memref<160x32xf32, #tpu.memory_space<hbm>>
          %dma_wait3A_54 = arith.constant 0 : i32
          %dma_wait3A_55 = tpu.memref_slice %arg2[%mul3A_13, %dma_wait3A_54] : memref<100000x32xf32, #tpu.memory_space<hbm>> -> memref<160x32xf32, #tpu.memory_space<hbm>>
          tpu.wait_dma2 semaphore(%run_scoped3A : memref<!tpu.dma_semaphore, #tpu.memory_space<semaphore_mem>>) src(%dma_wait3A_55 : memref<160x32xf32, #tpu.memory_space<hbm>>) dst(%arg20 : memref<160x32xf32, #tpu.memory_space<vmem>>)
          tpu.yield
        }) : () -> ()
        %dma_start3A = arith.constant 0 : i32
        %dma_start3A_14 = arith.constant 0 : i32
        %dma_start3A_15 = tpu.memref_slice %arg3[%dma_start3A, %dma_start3A_14] : memref<100000x32xf32, #tpu.memory_space<hbm>> -> memref<100000x32xf32, #tpu.memory_space<hbm>>
        tpu.enqueue_indirect_dma source(%dma_start3A_15 : memref<100000x32xf32, #tpu.memory_space<hbm>>) target(%arg15 : memref<160x32xf32, #tpu.memory_space<vmem>>) offsets(%arg10 : memref<160xi32, #tpu.memory_space<vmem>>) semaphore(%arg22 : memref<!tpu.dma_semaphore, #tpu.memory_space<semaphore_mem>>)
        %dma_start3A_16 = arith.constant 0 : i32
        %dma_start3A_17 = arith.constant 0 : i32
        %dma_start3A_18 = tpu.memref_slice %arg3[%dma_start3A_16, %dma_start3A_17] : memref<100000x32xf32, #tpu.memory_space<hbm>> -> memref<100000x32xf32, #tpu.memory_space<hbm>>
        tpu.enqueue_indirect_dma source(%dma_start3A_18 : memref<100000x32xf32, #tpu.memory_space<hbm>>) target(%arg16 : memref<160x32xf32, #tpu.memory_space<vmem>>) offsets(%arg11 : memref<160xi32, #tpu.memory_space<vmem>>) semaphore(%arg22 : memref<!tpu.dma_semaphore, #tpu.memory_space<semaphore_mem>>)
        %dma_start3A_19 = arith.constant 0 : i32
        %dma_start3A_20 = arith.constant 0 : i32
        %dma_start3A_21 = tpu.memref_slice %arg3[%dma_start3A_19, %dma_start3A_20] : memref<100000x32xf32, #tpu.memory_space<hbm>> -> memref<100000x32xf32, #tpu.memory_space<hbm>>
        tpu.enqueue_indirect_dma source(%dma_start3A_21 : memref<100000x32xf32, #tpu.memory_space<hbm>>) target(%arg17 : memref<160x32xf32, #tpu.memory_space<vmem>>) offsets(%arg12 : memref<160xi32, #tpu.memory_space<vmem>>) semaphore(%arg22 : memref<!tpu.dma_semaphore, #tpu.memory_space<semaphore_mem>>)
        %dma_start3A_22 = arith.constant 0 : i32
        %dma_start3A_23 = arith.constant 0 : i32
        %dma_start3A_24 = tpu.memref_slice %arg3[%dma_start3A_22, %dma_start3A_23] : memref<100000x32xf32, #tpu.memory_space<hbm>> -> memref<100000x32xf32, #tpu.memory_space<hbm>>
        tpu.enqueue_indirect_dma source(%dma_start3A_24 : memref<100000x32xf32, #tpu.memory_space<hbm>>) target(%arg18 : memref<160x32xf32, #tpu.memory_space<vmem>>) offsets(%arg13 : memref<160xi32, #tpu.memory_space<vmem>>) semaphore(%arg22 : memref<!tpu.dma_semaphore, #tpu.memory_space<semaphore_mem>>)
        %dma_start3A_25 = arith.constant 0 : i32
        %dma_start3A_26 = arith.constant 0 : i32
        %dma_start3A_27 = tpu.memref_slice %arg3[%dma_start3A_25, %dma_start3A_26] : memref<100000x32xf32, #tpu.memory_space<hbm>> -> memref<100000x32xf32, #tpu.memory_space<hbm>>
        tpu.enqueue_indirect_dma source(%dma_start3A_27 : memref<100000x32xf32, #tpu.memory_space<hbm>>) target(%arg19 : memref<160x32xf32, #tpu.memory_space<vmem>>) offsets(%arg14 : memref<160xi32, #tpu.memory_space<vmem>>) semaphore(%arg22 : memref<!tpu.dma_semaphore, #tpu.memory_space<semaphore_mem>>)
        %dma_wait3A = arith.constant 0 : i32
        %dma_wait3A_28 = arith.constant 0 : i32
        %dma_wait3A_29 = tpu.memref_slice %arg3[%dma_wait3A, %dma_wait3A_28] : memref<100000x32xf32, #tpu.memory_space<hbm>> -> memref<100000x32xf32, #tpu.memory_space<hbm>>
        tpu.wait_indirect_dma semaphore(%arg22 : memref<!tpu.dma_semaphore, #tpu.memory_space<semaphore_mem>>) src(%dma_wait3A_29 : memref<100000x32xf32, #tpu.memory_space<hbm>>) dst(%arg15 : memref<160x32xf32, #tpu.memory_space<vmem>>)
        %dma_wait3A_30 = arith.constant 0 : i32
        %dma_wait3A_31 = arith.constant 0 : i32
        %dma_wait3A_32 = tpu.memref_slice %arg3[%dma_wait3A_30, %dma_wait3A_31] : memref<100000x32xf32, #tpu.memory_space<hbm>> -> memref<100000x32xf32, #tpu.memory_space<hbm>>
        tpu.wait_indirect_dma semaphore(%arg22 : memref<!tpu.dma_semaphore, #tpu.memory_space<semaphore_mem>>) src(%dma_wait3A_32 : memref<100000x32xf32, #tpu.memory_space<hbm>>) dst(%arg16 : memref<160x32xf32, #tpu.memory_space<vmem>>)
        %dma_wait3A_33 = arith.constant 0 : i32
        %dma_wait3A_34 = arith.constant 0 : i32
        %dma_wait3A_35 = tpu.memref_slice %arg3[%dma_wait3A_33, %dma_wait3A_34] : memref<100000x32xf32, #tpu.memory_space<hbm>> -> memref<100000x32xf32, #tpu.memory_space<hbm>>
        tpu.wait_indirect_dma semaphore(%arg22 : memref<!tpu.dma_semaphore, #tpu.memory_space<semaphore_mem>>) src(%dma_wait3A_35 : memref<100000x32xf32, #tpu.memory_space<hbm>>) dst(%arg17 : memref<160x32xf32, #tpu.memory_space<vmem>>)
        %dma_wait3A_36 = arith.constant 0 : i32
        %dma_wait3A_37 = arith.constant 0 : i32
        %dma_wait3A_38 = tpu.memref_slice %arg3[%dma_wait3A_36, %dma_wait3A_37] : memref<100000x32xf32, #tpu.memory_space<hbm>> -> memref<100000x32xf32, #tpu.memory_space<hbm>>
        tpu.wait_indirect_dma semaphore(%arg22 : memref<!tpu.dma_semaphore, #tpu.memory_space<semaphore_mem>>) src(%dma_wait3A_38 : memref<100000x32xf32, #tpu.memory_space<hbm>>) dst(%arg18 : memref<160x32xf32, #tpu.memory_space<vmem>>)
        %dma_wait3A_39 = arith.constant 0 : i32
        %dma_wait3A_40 = arith.constant 0 : i32
        %dma_wait3A_41 = tpu.memref_slice %arg3[%dma_wait3A_39, %dma_wait3A_40] : memref<100000x32xf32, #tpu.memory_space<hbm>> -> memref<100000x32xf32, #tpu.memory_space<hbm>>
        tpu.wait_indirect_dma semaphore(%arg22 : memref<!tpu.dma_semaphore, #tpu.memory_space<semaphore_mem>>) src(%dma_wait3A_41 : memref<100000x32xf32, #tpu.memory_space<hbm>>) dst(%arg19 : memref<160x32xf32, #tpu.memory_space<vmem>>)
        %scan3A_42 = arith.constant 0 : i32
        %scan3A_43 = arith.constant 0 : i32
        %scan3A_44 = arith.constant 160 : i32
        %scan3A_45 = arith.addi %scan3A_43, %scan3A_44 : i32
        %scan3A_46 = arith.constant 1 : i32
        scf.for %scan3A_48 = %scan3A_43 to %scan3A_45 step %scan3A_46  : i32 {
          %get3A = arith.index_cast %scan3A_48 : i32 to index
          %get3A_49 = arith.constant 0 : index
          %get3A_50 = tpu.vector_load %arg15[%get3A, %get3A_49] {strides = array<i32>} : memref<160x32xf32, #tpu.memory_space<vmem>>, vector<1x16xf32>,
          %get3A_51 = vector.shape_cast %get3A_50 : vector<1x16xf32> to vector<16xf32>
          %bitcast_convert_type3A = tpu.bitcast %get3A_51 : vector<16xf32> -> vector<16xi32>
          %broadcast_in_dim3A = arith.constant 16 : i32
          %broadcast_in_dim3A_52 = vector.broadcast %broadcast_in_dim3A : i32 to vector<16xi32>
          %shift_left3A = arith.shli %bitcast_convert_type3A, %broadcast_in_dim3A_52 : vector<16xi32>
          %bitcast_convert_type3A_53 = tpu.bitcast %shift_left3A : vector<16xi32> -> vector<16xf32>
          %broadcast_in_dim3A_54 = arith.constant -65536 : i32
          %broadcast_in_dim3A_55 = vector.broadcast %broadcast_in_dim3A_54 : i32 to vector<16xi32>
          %and3A = arith.andi %bitcast_convert_type3A, %broadcast_in_dim3A_55 : vector<16xi32>
          %bitcast_convert_type3A_56 = tpu.bitcast %and3A : vector<16xi32> -> vector<16xf32>
          %get3A_57 = arith.index_cast %scan3A_48 : i32 to index
          %get3A_58 = arith.constant 0 : index
          %get3A_59 = tpu.vector_load %arg16[%get3A_57, %get3A_58] {strides = array<i32>} : memref<160x32xf32, #tpu.memory_space<vmem>>, vector<1x16xf32>,
          %get3A_60 = vector.shape_cast %get3A_59 : vector<1x16xf32> to vector<16xf32>
          %bitcast_convert_type3A_61 = tpu.bitcast %get3A_60 : vector<16xf32> -> vector<16xi32>
          %broadcast_in_dim3A_62 = arith.constant 16 : i32
          %broadcast_in_dim3A_63 = vector.broadcast %broadcast_in_dim3A_62 : i32 to vector<16xi32>
          %shift_left3A_64 = arith.shli %bitcast_convert_type3A_61, %broadcast_in_dim3A_63 : vector<16xi32>
          %bitcast_convert_type3A_65 = tpu.bitcast %shift_left3A_64 : vector<16xi32> -> vector<16xf32>
          %broadcast_in_dim3A_66 = arith.constant -65536 : i32
          %broadcast_in_dim3A_67 = vector.broadcast %broadcast_in_dim3A_66 : i32 to vector<16xi32>
          %and3A_68 = arith.andi %bitcast_convert_type3A_61, %broadcast_in_dim3A_67 : vector<16xi32>
          %bitcast_convert_type3A_69 = tpu.bitcast %and3A_68 : vector<16xi32> -> vector<16xf32>
          %add3A_70 = arith.addf %bitcast_convert_type3A_53, %bitcast_convert_type3A_65 : vector<16xf32>
          %add3A_71 = arith.addf %bitcast_convert_type3A_56, %bitcast_convert_type3A_69 : vector<16xf32>
          %get3A_72 = arith.index_cast %scan3A_48 : i32 to index
          %get3A_73 = arith.constant 0 : index
          %get3A_74 = tpu.vector_load %arg17[%get3A_72, %get3A_73] {strides = array<i32>} : memref<160x32xf32, #tpu.memory_space<vmem>>, vector<1x16xf32>,
          %get3A_75 = vector.shape_cast %get3A_74 : vector<1x16xf32> to vector<16xf32>
          %bitcast_convert_type3A_76 = tpu.bitcast %get3A_75 : vector<16xf32> -> vector<16xi32>
          %broadcast_in_dim3A_77 = arith.constant 16 : i32
          %broadcast_in_dim3A_78 = vector.broadcast %broadcast_in_dim3A_77 : i32 to vector<16xi32>
          %shift_left3A_79 = arith.shli %bitcast_convert_type3A_76, %broadcast_in_dim3A_78 : vector<16xi32>
          %bitcast_convert_type3A_80 = tpu.bitcast %shift_left3A_79 : vector<16xi32> -> vector<16xf32>
          %broadcast_in_dim3A_81 = arith.constant -65536 : i32
          %broadcast_in_dim3A_82 = vector.broadcast %broadcast_in_dim3A_81 : i32 to vector<16xi32>
          %and3A_83 = arith.andi %bitcast_convert_type3A_76, %broadcast_in_dim3A_82 : vector<16xi32>
          %bitcast_convert_type3A_84 = tpu.bitcast %and3A_83 : vector<16xi32> -> vector<16xf32>
          %add3A_85 = arith.addf %add3A_70, %bitcast_convert_type3A_80 : vector<16xf32>
          %add3A_86 = arith.addf %add3A_71, %bitcast_convert_type3A_84 : vector<16xf32>
          %get3A_87 = arith.index_cast %scan3A_48 : i32 to index
          %get3A_88 = arith.constant 0 : index
          %get3A_89 = tpu.vector_load %arg18[%get3A_87, %get3A_88] {strides = array<i32>} : memref<160x32xf32, #tpu.memory_space<vmem>>, vector<1x16xf32>,
          %get3A_90 = vector.shape_cast %get3A_89 : vector<1x16xf32> to vector<16xf32>
          %bitcast_convert_type3A_91 = tpu.bitcast %get3A_90 : vector<16xf32> -> vector<16xi32>
          %broadcast_in_dim3A_92 = arith.constant 16 : i32
          %broadcast_in_dim3A_93 = vector.broadcast %broadcast_in_dim3A_92 : i32 to vector<16xi32>
          %shift_left3A_94 = arith.shli %bitcast_convert_type3A_91, %broadcast_in_dim3A_93 : vector<16xi32>
          %bitcast_convert_type3A_95 = tpu.bitcast %shift_left3A_94 : vector<16xi32> -> vector<16xf32>
          %broadcast_in_dim3A_96 = arith.constant -65536 : i32
          %broadcast_in_dim3A_97 = vector.broadcast %broadcast_in_dim3A_96 : i32 to vector<16xi32>
          %and3A_98 = arith.andi %bitcast_convert_type3A_91, %broadcast_in_dim3A_97 : vector<16xi32>
          %bitcast_convert_type3A_99 = tpu.bitcast %and3A_98 : vector<16xi32> -> vector<16xf32>
          %add3A_100 = arith.addf %add3A_85, %bitcast_convert_type3A_95 : vector<16xf32>
          %add3A_101 = arith.addf %add3A_86, %bitcast_convert_type3A_99 : vector<16xf32>
          %get3A_102 = arith.index_cast %scan3A_48 : i32 to index
          %get3A_103 = arith.constant 0 : index
          %get3A_104 = tpu.vector_load %arg19[%get3A_102, %get3A_103] {strides = array<i32>} : memref<160x32xf32, #tpu.memory_space<vmem>>, vector<1x16xf32>,
          %get3A_105 = vector.shape_cast %get3A_104 : vector<1x16xf32> to vector<16xf32>
          %bitcast_convert_type3A_106 = tpu.bitcast %get3A_105 : vector<16xf32> -> vector<16xi32>
          %broadcast_in_dim3A_107 = arith.constant 16 : i32
          %broadcast_in_dim3A_108 = vector.broadcast %broadcast_in_dim3A_107 : i32 to vector<16xi32>
          %shift_left3A_109 = arith.shli %bitcast_convert_type3A_106, %broadcast_in_dim3A_108 : vector<16xi32>
          %bitcast_convert_type3A_110 = tpu.bitcast %shift_left3A_109 : vector<16xi32> -> vector<16xf32>
          %broadcast_in_dim3A_111 = arith.constant -65536 : i32
          %broadcast_in_dim3A_112 = vector.broadcast %broadcast_in_dim3A_111 : i32 to vector<16xi32>
          %and3A_113 = arith.andi %bitcast_convert_type3A_106, %broadcast_in_dim3A_112 : vector<16xi32>
          %bitcast_convert_type3A_114 = tpu.bitcast %and3A_113 : vector<16xi32> -> vector<16xf32>
          %add3A_115 = arith.addf %add3A_100, %bitcast_convert_type3A_110 : vector<16xf32>
          %add3A_116 = arith.addf %add3A_101, %bitcast_convert_type3A_114 : vector<16xf32>
          %get3A_117 = arith.index_cast %scan3A_48 : i32 to index
          %get3A_118 = arith.constant 0 : index
          %get3A_119 = tpu.vector_load %arg20[%get3A_117, %get3A_118] {strides = array<i32>} : memref<160x32xf32, #tpu.memory_space<vmem>>, vector<1x16xf32>,
          %get3A_120 = vector.shape_cast %get3A_119 : vector<1x16xf32> to vector<16xf32>
          %bitcast_convert_type3A_121 = tpu.bitcast %get3A_120 : vector<16xf32> -> vector<16xi32>
          %broadcast_in_dim3A_122 = arith.constant 16 : i32
          %broadcast_in_dim3A_123 = vector.broadcast %broadcast_in_dim3A_122 : i32 to vector<16xi32>
          %shift_left3A_124 = arith.shli %bitcast_convert_type3A_121, %broadcast_in_dim3A_123 : vector<16xi32>
          %bitcast_convert_type3A_125 = tpu.bitcast %shift_left3A_124 : vector<16xi32> -> vector<16xf32>
          %broadcast_in_dim3A_126 = arith.constant -65536 : i32
          %broadcast_in_dim3A_127 = vector.broadcast %broadcast_in_dim3A_126 : i32 to vector<16xi32>
          %and3A_128 = arith.andi %bitcast_convert_type3A_121, %broadcast_in_dim3A_127 : vector<16xi32>
          %bitcast_convert_type3A_129 = tpu.bitcast %and3A_128 : vector<16xi32> -> vector<16xf32>
          %mul3A_130 = arith.constant 2.000000e-01 : f32
          %mul3A_131 = vector.broadcast %mul3A_130 : f32 to vector<16xf32>
          %mul3A_132 = arith.mulf %mul3A_131, %add3A_115 : vector<16xf32>
          %add3A_133 = arith.addf %bitcast_convert_type3A_125, %mul3A_132 : vector<16xf32>
          %max3A = arith.constant 0.000000e+00 : f32
          %max3A_134 = vector.broadcast %max3A : f32 to vector<16xf32>
          %max3A_135 = arith.maximumf %add3A_133, %max3A_134 : vector<16xf32>
          %mul3A_136 = arith.constant 2.000000e-01 : f32
          %mul3A_137 = vector.broadcast %mul3A_136 : f32 to vector<16xf32>
          %mul3A_138 = arith.mulf %mul3A_137, %add3A_116 : vector<16xf32>
          %add3A_139 = arith.addf %bitcast_convert_type3A_129, %mul3A_138 : vector<16xf32>
          %max3A_140 = arith.constant 0.000000e+00 : f32
          %max3A_141 = vector.broadcast %max3A_140 : f32 to vector<16xf32>
          %max3A_142 = arith.maximumf %add3A_139, %max3A_141 : vector<16xf32>
          %bitcast_convert_type3A_143 = tpu.bitcast %max3A_135 : vector<16xf32> -> vector<16xi32>
          %bitcast_convert_type3A_144 = tpu.bitcast %max3A_142 : vector<16xf32> -> vector<16xi32>
          %broadcast_in_dim3A_145 = arith.constant 32768 : i32
          %broadcast_in_dim3A_146 = vector.broadcast %broadcast_in_dim3A_145 : i32 to vector<16xi32>
          %add3A_147 = arith.addi %bitcast_convert_type3A_143, %broadcast_in_dim3A_146 : vector<16xi32>
          %broadcast_in_dim3A_148 = arith.constant 16 : i32
          %broadcast_in_dim3A_149 = vector.broadcast %broadcast_in_dim3A_148 : i32 to vector<16xi32>
          %shift_right_arithmetic3A = arith.shrsi %add3A_147, %broadcast_in_dim3A_149 : vector<16xi32>
          %broadcast_in_dim3A_150 = arith.constant 65535 : i32
          %broadcast_in_dim3A_151 = vector.broadcast %broadcast_in_dim3A_150 : i32 to vector<16xi32>
          %and3A_152 = arith.andi %shift_right_arithmetic3A, %broadcast_in_dim3A_151 : vector<16xi32>
          %broadcast_in_dim3A_153 = arith.constant 32768 : i32
          %broadcast_in_dim3A_154 = vector.broadcast %broadcast_in_dim3A_153 : i32 to vector<16xi32>
          %add3A_155 = arith.addi %bitcast_convert_type3A_144, %broadcast_in_dim3A_154 : vector<16xi32>
          %broadcast_in_dim3A_156 = arith.constant -65536 : i32
          %broadcast_in_dim3A_157 = vector.broadcast %broadcast_in_dim3A_156 : i32 to vector<16xi32>
          %and3A_158 = arith.andi %add3A_155, %broadcast_in_dim3A_157 : vector<16xi32>
          %or3A = arith.ori %and3A_152, %and3A_158 : vector<16xi32>
          %bitcast_convert_type3A_159 = tpu.bitcast %or3A : vector<16xi32> -> vector<16xf32>
          %swap3A = arith.index_cast %scan3A_48 : i32 to index
          %swap3A_160 = arith.constant 0 : index
          %swap3A_161 = tpu.vector_load %arg21[%swap3A, %swap3A_160] {strides = array<i32>} : memref<160x32xf32, #tpu.memory_space<vmem>>, vector<1x16xf32>,
          %swap3A_162 = vector.shape_cast %swap3A_161 : vector<1x16xf32> to vector<16xf32>
          %swap3A_163 = vector.shape_cast %bitcast_convert_type3A_159 : vector<16xf32> to vector<1x16xf32>
          tpu.vector_store %arg21[%swap3A, %swap3A_160], %swap3A_163 {strides = array<i32>} : memref<160x32xf32, #tpu.memory_space<vmem>>, vector<1x16xf32>,
          %get3A_164 = arith.index_cast %scan3A_48 : i32 to index
          %get3A_165 = arith.constant 16 : index
          %get3A_166 = tpu.vector_load %arg15[%get3A_164, %get3A_165] {strides = array<i32>} : memref<160x32xf32, #tpu.memory_space<vmem>>, vector<1x16xf32>,
          %get3A_167 = vector.shape_cast %get3A_166 : vector<1x16xf32> to vector<16xf32>
          %bitcast_convert_type3A_168 = tpu.bitcast %get3A_167 : vector<16xf32> -> vector<16xi32>
          %broadcast_in_dim3A_169 = arith.constant 16 : i32
          %broadcast_in_dim3A_170 = vector.broadcast %broadcast_in_dim3A_169 : i32 to vector<16xi32>
          %shift_left3A_171 = arith.shli %bitcast_convert_type3A_168, %broadcast_in_dim3A_170 : vector<16xi32>
          %bitcast_convert_type3A_172 = tpu.bitcast %shift_left3A_171 : vector<16xi32> -> vector<16xf32>
          %broadcast_in_dim3A_173 = arith.constant -65536 : i32
          %broadcast_in_dim3A_174 = vector.broadcast %broadcast_in_dim3A_173 : i32 to vector<16xi32>
          %and3A_175 = arith.andi %bitcast_convert_type3A_168, %broadcast_in_dim3A_174 : vector<16xi32>
          %bitcast_convert_type3A_176 = tpu.bitcast %and3A_175 : vector<16xi32> -> vector<16xf32>
          %get3A_177 = arith.index_cast %scan3A_48 : i32 to index
          %get3A_178 = arith.constant 16 : index
          %get3A_179 = tpu.vector_load %arg16[%get3A_177, %get3A_178] {strides = array<i32>} : memref<160x32xf32, #tpu.memory_space<vmem>>, vector<1x16xf32>,
          %get3A_180 = vector.shape_cast %get3A_179 : vector<1x16xf32> to vector<16xf32>
          %bitcast_convert_type3A_181 = tpu.bitcast %get3A_180 : vector<16xf32> -> vector<16xi32>
          %broadcast_in_dim3A_182 = arith.constant 16 : i32
          %broadcast_in_dim3A_183 = vector.broadcast %broadcast_in_dim3A_182 : i32 to vector<16xi32>
          %shift_left3A_184 = arith.shli %bitcast_convert_type3A_181, %broadcast_in_dim3A_183 : vector<16xi32>
          %bitcast_convert_type3A_185 = tpu.bitcast %shift_left3A_184 : vector<16xi32> -> vector<16xf32>
          %broadcast_in_dim3A_186 = arith.constant -65536 : i32
          %broadcast_in_dim3A_187 = vector.broadcast %broadcast_in_dim3A_186 : i32 to vector<16xi32>
          %and3A_188 = arith.andi %bitcast_convert_type3A_181, %broadcast_in_dim3A_187 : vector<16xi32>
          %bitcast_convert_type3A_189 = tpu.bitcast %and3A_188 : vector<16xi32> -> vector<16xf32>
          %add3A_190 = arith.addf %bitcast_convert_type3A_172, %bitcast_convert_type3A_185 : vector<16xf32>
          %add3A_191 = arith.addf %bitcast_convert_type3A_176, %bitcast_convert_type3A_189 : vector<16xf32>
          %get3A_192 = arith.index_cast %scan3A_48 : i32 to index
          %get3A_193 = arith.constant 16 : index
          %get3A_194 = tpu.vector_load %arg17[%get3A_192, %get3A_193] {strides = array<i32>} : memref<160x32xf32, #tpu.memory_space<vmem>>, vector<1x16xf32>,
          %get3A_195 = vector.shape_cast %get3A_194 : vector<1x16xf32> to vector<16xf32>
          %bitcast_convert_type3A_196 = tpu.bitcast %get3A_195 : vector<16xf32> -> vector<16xi32>
          %broadcast_in_dim3A_197 = arith.constant 16 : i32
          %broadcast_in_dim3A_198 = vector.broadcast %broadcast_in_dim3A_197 : i32 to vector<16xi32>
          %shift_left3A_199 = arith.shli %bitcast_convert_type3A_196, %broadcast_in_dim3A_198 : vector<16xi32>
          %bitcast_convert_type3A_200 = tpu.bitcast %shift_left3A_199 : vector<16xi32> -> vector<16xf32>
          %broadcast_in_dim3A_201 = arith.constant -65536 : i32
          %broadcast_in_dim3A_202 = vector.broadcast %broadcast_in_dim3A_201 : i32 to vector<16xi32>
          %and3A_203 = arith.andi %bitcast_convert_type3A_196, %broadcast_in_dim3A_202 : vector<16xi32>
          %bitcast_convert_type3A_204 = tpu.bitcast %and3A_203 : vector<16xi32> -> vector<16xf32>
          %add3A_205 = arith.addf %add3A_190, %bitcast_convert_type3A_200 : vector<16xf32>
          %add3A_206 = arith.addf %add3A_191, %bitcast_convert_type3A_204 : vector<16xf32>
          %get3A_207 = arith.index_cast %scan3A_48 : i32 to index
          %get3A_208 = arith.constant 16 : index
          %get3A_209 = tpu.vector_load %arg18[%get3A_207, %get3A_208] {strides = array<i32>} : memref<160x32xf32, #tpu.memory_space<vmem>>, vector<1x16xf32>,
          %get3A_210 = vector.shape_cast %get3A_209 : vector<1x16xf32> to vector<16xf32>
          %bitcast_convert_type3A_211 = tpu.bitcast %get3A_210 : vector<16xf32> -> vector<16xi32>
          %broadcast_in_dim3A_212 = arith.constant 16 : i32
          %broadcast_in_dim3A_213 = vector.broadcast %broadcast_in_dim3A_212 : i32 to vector<16xi32>
          %shift_left3A_214 = arith.shli %bitcast_convert_type3A_211, %broadcast_in_dim3A_213 : vector<16xi32>
          %bitcast_convert_type3A_215 = tpu.bitcast %shift_left3A_214 : vector<16xi32> -> vector<16xf32>
          %broadcast_in_dim3A_216 = arith.constant -65536 : i32
          %broadcast_in_dim3A_217 = vector.broadcast %broadcast_in_dim3A_216 : i32 to vector<16xi32>
          %and3A_218 = arith.andi %bitcast_convert_type3A_211, %broadcast_in_dim3A_217 : vector<16xi32>
          %bitcast_convert_type3A_219 = tpu.bitcast %and3A_218 : vector<16xi32> -> vector<16xf32>
          %add3A_220 = arith.addf %add3A_205, %bitcast_convert_type3A_215 : vector<16xf32>
          %add3A_221 = arith.addf %add3A_206, %bitcast_convert_type3A_219 : vector<16xf32>
          %get3A_222 = arith.index_cast %scan3A_48 : i32 to index
          %get3A_223 = arith.constant 16 : index
          %get3A_224 = tpu.vector_load %arg19[%get3A_222, %get3A_223] {strides = array<i32>} : memref<160x32xf32, #tpu.memory_space<vmem>>, vector<1x16xf32>,
          %get3A_225 = vector.shape_cast %get3A_224 : vector<1x16xf32> to vector<16xf32>
          %bitcast_convert_type3A_226 = tpu.bitcast %get3A_225 : vector<16xf32> -> vector<16xi32>
          %broadcast_in_dim3A_227 = arith.constant 16 : i32
          %broadcast_in_dim3A_228 = vector.broadcast %broadcast_in_dim3A_227 : i32 to vector<16xi32>
          %shift_left3A_229 = arith.shli %bitcast_convert_type3A_226, %broadcast_in_dim3A_228 : vector<16xi32>
          %bitcast_convert_type3A_230 = tpu.bitcast %shift_left3A_229 : vector<16xi32> -> vector<16xf32>
          %broadcast_in_dim3A_231 = arith.constant -65536 : i32
          %broadcast_in_dim3A_232 = vector.broadcast %broadcast_in_dim3A_231 : i32 to vector<16xi32>
          %and3A_233 = arith.andi %bitcast_convert_type3A_226, %broadcast_in_dim3A_232 : vector<16xi32>
          %bitcast_convert_type3A_234 = tpu.bitcast %and3A_233 : vector<16xi32> -> vector<16xf32>
          %add3A_235 = arith.addf %add3A_220, %bitcast_convert_type3A_230 : vector<16xf32>
          %add3A_236 = arith.addf %add3A_221, %bitcast_convert_type3A_234 : vector<16xf32>
          %get3A_237 = arith.index_cast %scan3A_48 : i32 to index
          %get3A_238 = arith.constant 16 : index
          %get3A_239 = tpu.vector_load %arg20[%get3A_237, %get3A_238] {strides = array<i32>} : memref<160x32xf32, #tpu.memory_space<vmem>>, vector<1x16xf32>,
          %get3A_240 = vector.shape_cast %get3A_239 : vector<1x16xf32> to vector<16xf32>
          %bitcast_convert_type3A_241 = tpu.bitcast %get3A_240 : vector<16xf32> -> vector<16xi32>
          %broadcast_in_dim3A_242 = arith.constant 16 : i32
          %broadcast_in_dim3A_243 = vector.broadcast %broadcast_in_dim3A_242 : i32 to vector<16xi32>
          %shift_left3A_244 = arith.shli %bitcast_convert_type3A_241, %broadcast_in_dim3A_243 : vector<16xi32>
          %bitcast_convert_type3A_245 = tpu.bitcast %shift_left3A_244 : vector<16xi32> -> vector<16xf32>
          %broadcast_in_dim3A_246 = arith.constant -65536 : i32
          %broadcast_in_dim3A_247 = vector.broadcast %broadcast_in_dim3A_246 : i32 to vector<16xi32>
          %and3A_248 = arith.andi %bitcast_convert_type3A_241, %broadcast_in_dim3A_247 : vector<16xi32>
          %bitcast_convert_type3A_249 = tpu.bitcast %and3A_248 : vector<16xi32> -> vector<16xf32>
          %mul3A_250 = arith.constant 2.000000e-01 : f32
          %mul3A_251 = vector.broadcast %mul3A_250 : f32 to vector<16xf32>
          %mul3A_252 = arith.mulf %mul3A_251, %add3A_235 : vector<16xf32>
          %add3A_253 = arith.addf %bitcast_convert_type3A_245, %mul3A_252 : vector<16xf32>
          %max3A_254 = arith.constant 0.000000e+00 : f32
          %max3A_255 = vector.broadcast %max3A_254 : f32 to vector<16xf32>
          %max3A_256 = arith.maximumf %add3A_253, %max3A_255 : vector<16xf32>
          %mul3A_257 = arith.constant 2.000000e-01 : f32
          %mul3A_258 = vector.broadcast %mul3A_257 : f32 to vector<16xf32>
          %mul3A_259 = arith.mulf %mul3A_258, %add3A_236 : vector<16xf32>
          %add3A_260 = arith.addf %bitcast_convert_type3A_249, %mul3A_259 : vector<16xf32>
          %max3A_261 = arith.constant 0.000000e+00 : f32
          %max3A_262 = vector.broadcast %max3A_261 : f32 to vector<16xf32>
          %max3A_263 = arith.maximumf %add3A_260, %max3A_262 : vector<16xf32>
          %bitcast_convert_type3A_264 = tpu.bitcast %max3A_256 : vector<16xf32> -> vector<16xi32>
          %bitcast_convert_type3A_265 = tpu.bitcast %max3A_263 : vector<16xf32> -> vector<16xi32>
          %broadcast_in_dim3A_266 = arith.constant 32768 : i32
          %broadcast_in_dim3A_267 = vector.broadcast %broadcast_in_dim3A_266 : i32 to vector<16xi32>
          %add3A_268 = arith.addi %bitcast_convert_type3A_264, %broadcast_in_dim3A_267 : vector<16xi32>
          %broadcast_in_dim3A_269 = arith.constant 16 : i32
          %broadcast_in_dim3A_270 = vector.broadcast %broadcast_in_dim3A_269 : i32 to vector<16xi32>
          %shift_right_arithmetic3A_271 = arith.shrsi %add3A_268, %broadcast_in_dim3A_270 : vector<16xi32>
          %broadcast_in_dim3A_272 = arith.constant 65535 : i32
          %broadcast_in_dim3A_273 = vector.broadcast %broadcast_in_dim3A_272 : i32 to vector<16xi32>
          %and3A_274 = arith.andi %shift_right_arithmetic3A_271, %broadcast_in_dim3A_273 : vector<16xi32>
          %broadcast_in_dim3A_275 = arith.constant 32768 : i32
          %broadcast_in_dim3A_276 = vector.broadcast %broadcast_in_dim3A_275 : i32 to vector<16xi32>
          %add3A_277 = arith.addi %bitcast_convert_type3A_265, %broadcast_in_dim3A_276 : vector<16xi32>
          %broadcast_in_dim3A_278 = arith.constant -65536 : i32
          %broadcast_in_dim3A_279 = vector.broadcast %broadcast_in_dim3A_278 : i32 to vector<16xi32>
          %and3A_280 = arith.andi %add3A_277, %broadcast_in_dim3A_279 : vector<16xi32>
          %or3A_281 = arith.ori %and3A_274, %and3A_280 : vector<16xi32>
          %bitcast_convert_type3A_282 = tpu.bitcast %or3A_281 : vector<16xi32> -> vector<16xf32>
          %swap3A_283 = arith.index_cast %scan3A_48 : i32 to index
          %swap3A_284 = arith.constant 16 : index
          %swap3A_285 = tpu.vector_load %arg21[%swap3A_283, %swap3A_284] {strides = array<i32>} : memref<160x32xf32, #tpu.memory_space<vmem>>, vector<1x16xf32>,
          %swap3A_286 = vector.shape_cast %swap3A_285 : vector<1x16xf32> to vector<16xf32>
          %swap3A_287 = vector.shape_cast %bitcast_convert_type3A_282 : vector<16xf32> to vector<1x16xf32>
          tpu.vector_store %arg21[%swap3A_283, %swap3A_284], %swap3A_287 {strides = array<i32>} : memref<160x32xf32, #tpu.memory_space<vmem>>, vector<1x16xf32>,
        }
        %scan3A_47 = arith.constant 160 : i32
        "tpu.region"() ({
          %run_scoped3A = tpu.sem_alloc : memref<!tpu.dma_semaphore, #tpu.memory_space<semaphore_mem>>
          %dma_start3A_48 = arith.constant 0 : i32
          %dma_start3A_49 = tpu.memref_slice %arg9[%mul3A_13, %dma_start3A_48] : memref<100000x32xf32, #tpu.memory_space<hbm>> -> memref<160x32xf32, #tpu.memory_space<hbm>>
          %dma_start3A_50 = arith.constant 0 : i32
          %dma_start3A_51 = tpu.memref_slice %arg9[%mul3A_13, %dma_start3A_50] : memref<100000x32xf32, #tpu.memory_space<hbm>> -> memref<160x32xf32, #tpu.memory_space<hbm>>
          tpu.enqueue_dma source(%arg21 : memref<160x32xf32, #tpu.memory_space<vmem>>) target(%dma_start3A_51 : memref<160x32xf32, #tpu.memory_space<hbm>>) target_semaphore(%run_scoped3A : memref<!tpu.dma_semaphore, #tpu.memory_space<semaphore_mem>>)
          %dma_wait3A_52 = arith.constant 0 : i32
          %dma_wait3A_53 = tpu.memref_slice %arg9[%mul3A_13, %dma_wait3A_52] : memref<100000x32xf32, #tpu.memory_space<hbm>> -> memref<160x32xf32, #tpu.memory_space<hbm>>
          %dma_wait3A_54 = arith.constant 0 : i32
          %dma_wait3A_55 = tpu.memref_slice %arg9[%mul3A_13, %dma_wait3A_54] : memref<100000x32xf32, #tpu.memory_space<hbm>> -> memref<160x32xf32, #tpu.memory_space<hbm>>
          tpu.wait_dma2 semaphore(%run_scoped3A : memref<!tpu.dma_semaphore, #tpu.memory_space<semaphore_mem>>) src(%arg21 : memref<160x32xf32, #tpu.memory_space<vmem>>) dst(%dma_wait3A_55 : memref<160x32xf32, #tpu.memory_space<hbm>>)
          tpu.yield
        }) : () -> ()
      } else {
      }
    }
    %scan3A_5 = arith.constant 20 : i32
    return
  }
}

#map = affine_map<(d0, d1) -> (0)>
#map1 = affine_map<(d0, d1) -> (0, 0)>
module attributes {stable_mosaic.version = 14 : i64} {
  func.func @_agg2(%arg0: i32, %arg1: i32, %arg2: memref<16384xi32, #tpu.memory_space<hbm>>, %arg3: memref<100000x32xf32, #tpu.memory_space<hbm>>, %arg4: memref<100000xi32, #tpu.memory_space<hbm>>, %arg5: memref<100000xi32, #tpu.memory_space<hbm>>, %arg6: memref<100000xi32, #tpu.memory_space<hbm>>, %arg7: memref<100000xi32, #tpu.memory_space<hbm>>, %arg8: memref<100000xi32, #tpu.memory_space<hbm>>, %arg9: memref<16384x32xf32, #tpu.memory_space<hbm>>, %arg10: memref<16384x32xf32, #tpu.memory_space<hbm>>, %arg11: memref<256xi32, #tpu.memory_space<vmem>>, %arg12: memref<256xi32, #tpu.memory_space<vmem>>, %arg13: memref<256xi32, #tpu.memory_space<vmem>>, %arg14: memref<256xi32, #tpu.memory_space<vmem>>, %arg15: memref<256xi32, #tpu.memory_space<vmem>>, %arg16: memref<256xi32, #tpu.memory_space<vmem>>, %arg17: memref<256x32xf32, #tpu.memory_space<vmem>>, %arg18: memref<256x32xf32, #tpu.memory_space<vmem>>, %arg19: memref<256x32xf32, #tpu.memory_space<vmem>>, %arg20: memref<256x32xf32, #tpu.memory_space<vmem>>, %arg21: memref<256x32xf32, #tpu.memory_space<vmem>>, %arg22: memref<256x32xf32, #tpu.memory_space<vmem>>, %arg23: memref<256x32xf32, #tpu.memory_space<vmem>>, %arg24: memref<!tpu.dma_semaphore, #tpu.memory_space<semaphore_mem>>) attributes {dimension_semantics = [#tpu.dimension_semantics<core_parallel>, #tpu.dimension_semantics<subcore_parallel>], iteration_bounds = array<i64: 2, 16>, scalar_prefetch = 0 : i64, scratch_operands = 14 : i64, tpu.core_type = #tpu.core_type<sc_vector_subcore>, window_params = [{transform_indices = #map}, {transform_indices = #map1}, {transform_indices = #map}, {transform_indices = #map}, {transform_indices = #map}, {transform_indices = #map}, {transform_indices = #map}, {transform_indices = #map1}, {transform_indices = #map1}]} {
    %mul3A = arith.constant 2 : i32
    %mul3A_0 = arith.muli %arg1, %mul3A : i32
    %add3A = arith.addi %mul3A_0, %arg0 : i32
    %scan3A = arith.constant 0 : i32
    %scan3A_1 = arith.constant 0 : i32
    %scan3A_2 = arith.constant 2 : i32
    %scan3A_3 = arith.addi %scan3A_1, %scan3A_2 : i32
    %scan3A_4 = arith.constant 1 : i32
    scf.for %scan3A_6 = %scan3A_1 to %scan3A_3 step %scan3A_4  : i32 {
      %mul3A_7 = arith.constant 32 : i32
      %mul3A_8 = arith.muli %scan3A_6, %mul3A_7 : i32
      %add3A_9 = arith.addi %mul3A_8, %add3A : i32
      %mul3A_10 = arith.constant 256 : i32
      %mul3A_11 = arith.muli %add3A_9, %mul3A_10 : i32
      "tpu.region"() ({
        %run_scoped3A = tpu.sem_alloc : memref<!tpu.dma_semaphore, #tpu.memory_space<semaphore_mem>>
        %dma_start3A_72 = tpu.memref_slice %arg2[%mul3A_11] : memref<16384xi32, #tpu.memory_space<hbm>> -> memref<256xi32, #tpu.memory_space<hbm>>
        %dma_start3A_73 = tpu.memref_slice %arg2[%mul3A_11] : memref<16384xi32, #tpu.memory_space<hbm>> -> memref<256xi32, #tpu.memory_space<hbm>>
        tpu.enqueue_dma source(%dma_start3A_73 : memref<256xi32, #tpu.memory_space<hbm>>) target(%arg11 : memref<256xi32, #tpu.memory_space<vmem>>) target_semaphore(%run_scoped3A : memref<!tpu.dma_semaphore, #tpu.memory_space<semaphore_mem>>)
        %dma_wait3A_74 = tpu.memref_slice %arg2[%mul3A_11] : memref<16384xi32, #tpu.memory_space<hbm>> -> memref<256xi32, #tpu.memory_space<hbm>>
        %dma_wait3A_75 = tpu.memref_slice %arg2[%mul3A_11] : memref<16384xi32, #tpu.memory_space<hbm>> -> memref<256xi32, #tpu.memory_space<hbm>>
        tpu.wait_dma2 semaphore(%run_scoped3A : memref<!tpu.dma_semaphore, #tpu.memory_space<semaphore_mem>>) src(%dma_wait3A_75 : memref<256xi32, #tpu.memory_space<hbm>>) dst(%arg11 : memref<256xi32, #tpu.memory_space<vmem>>)
        tpu.yield
      }) : () -> ()
      %dma_start3A = arith.constant 0 : i32
      %dma_start3A_12 = tpu.memref_slice %arg4[%dma_start3A] : memref<100000xi32, #tpu.memory_space<hbm>> -> memref<100000xi32, #tpu.memory_space<hbm>>
      tpu.enqueue_indirect_dma source(%dma_start3A_12 : memref<100000xi32, #tpu.memory_space<hbm>>) target(%arg12 : memref<256xi32, #tpu.memory_space<vmem>>) offsets(%arg11 : memref<256xi32, #tpu.memory_space<vmem>>) semaphore(%arg24 : memref<!tpu.dma_semaphore, #tpu.memory_space<semaphore_mem>>)
      %dma_start3A_13 = arith.constant 0 : i32
      %dma_start3A_14 = tpu.memref_slice %arg5[%dma_start3A_13] : memref<100000xi32, #tpu.memory_space<hbm>> -> memref<100000xi32, #tpu.memory_space<hbm>>
      tpu.enqueue_indirect_dma source(%dma_start3A_14 : memref<100000xi32, #tpu.memory_space<hbm>>) target(%arg13 : memref<256xi32, #tpu.memory_space<vmem>>) offsets(%arg11 : memref<256xi32, #tpu.memory_space<vmem>>) semaphore(%arg24 : memref<!tpu.dma_semaphore, #tpu.memory_space<semaphore_mem>>)
      %dma_start3A_15 = arith.constant 0 : i32
      %dma_start3A_16 = tpu.memref_slice %arg6[%dma_start3A_15] : memref<100000xi32, #tpu.memory_space<hbm>> -> memref<100000xi32, #tpu.memory_space<hbm>>
      tpu.enqueue_indirect_dma source(%dma_start3A_16 : memref<100000xi32, #tpu.memory_space<hbm>>) target(%arg14 : memref<256xi32, #tpu.memory_space<vmem>>) offsets(%arg11 : memref<256xi32, #tpu.memory_space<vmem>>) semaphore(%arg24 : memref<!tpu.dma_semaphore, #tpu.memory_space<semaphore_mem>>)
      %dma_start3A_17 = arith.constant 0 : i32
      %dma_start3A_18 = tpu.memref_slice %arg7[%dma_start3A_17] : memref<100000xi32, #tpu.memory_space<hbm>> -> memref<100000xi32, #tpu.memory_space<hbm>>
      tpu.enqueue_indirect_dma source(%dma_start3A_18 : memref<100000xi32, #tpu.memory_space<hbm>>) target(%arg15 : memref<256xi32, #tpu.memory_space<vmem>>) offsets(%arg11 : memref<256xi32, #tpu.memory_space<vmem>>) semaphore(%arg24 : memref<!tpu.dma_semaphore, #tpu.memory_space<semaphore_mem>>)
      %dma_start3A_19 = arith.constant 0 : i32
      %dma_start3A_20 = tpu.memref_slice %arg8[%dma_start3A_19] : memref<100000xi32, #tpu.memory_space<hbm>> -> memref<100000xi32, #tpu.memory_space<hbm>>
      tpu.enqueue_indirect_dma source(%dma_start3A_20 : memref<100000xi32, #tpu.memory_space<hbm>>) target(%arg16 : memref<256xi32, #tpu.memory_space<vmem>>) offsets(%arg11 : memref<256xi32, #tpu.memory_space<vmem>>) semaphore(%arg24 : memref<!tpu.dma_semaphore, #tpu.memory_space<semaphore_mem>>)
      %dma_start3A_21 = arith.constant 0 : i32
      %dma_start3A_22 = arith.constant 0 : i32
      %dma_start3A_23 = tpu.memref_slice %arg3[%dma_start3A_21, %dma_start3A_22] : memref<100000x32xf32, #tpu.memory_space<hbm>> -> memref<100000x32xf32, #tpu.memory_space<hbm>>
      tpu.enqueue_indirect_dma source(%dma_start3A_23 : memref<100000x32xf32, #tpu.memory_space<hbm>>) target(%arg22 : memref<256x32xf32, #tpu.memory_space<vmem>>) offsets(%arg11 : memref<256xi32, #tpu.memory_space<vmem>>) semaphore(%arg24 : memref<!tpu.dma_semaphore, #tpu.memory_space<semaphore_mem>>)
      %dma_wait3A = arith.constant 0 : i32
      %dma_wait3A_24 = tpu.memref_slice %arg4[%dma_wait3A] : memref<100000xi32, #tpu.memory_space<hbm>> -> memref<100000xi32, #tpu.memory_space<hbm>>
      tpu.wait_indirect_dma semaphore(%arg24 : memref<!tpu.dma_semaphore, #tpu.memory_space<semaphore_mem>>) src(%dma_wait3A_24 : memref<100000xi32, #tpu.memory_space<hbm>>) dst(%arg12 : memref<256xi32, #tpu.memory_space<vmem>>)
      %dma_wait3A_25 = arith.constant 0 : i32
      %dma_wait3A_26 = tpu.memref_slice %arg5[%dma_wait3A_25] : memref<100000xi32, #tpu.memory_space<hbm>> -> memref<100000xi32, #tpu.memory_space<hbm>>
      tpu.wait_indirect_dma semaphore(%arg24 : memref<!tpu.dma_semaphore, #tpu.memory_space<semaphore_mem>>) src(%dma_wait3A_26 : memref<100000xi32, #tpu.memory_space<hbm>>) dst(%arg13 : memref<256xi32, #tpu.memory_space<vmem>>)
      %dma_wait3A_27 = arith.constant 0 : i32
      %dma_wait3A_28 = tpu.memref_slice %arg6[%dma_wait3A_27] : memref<100000xi32, #tpu.memory_space<hbm>> -> memref<100000xi32, #tpu.memory_space<hbm>>
      tpu.wait_indirect_dma semaphore(%arg24 : memref<!tpu.dma_semaphore, #tpu.memory_space<semaphore_mem>>) src(%dma_wait3A_28 : memref<100000xi32, #tpu.memory_space<hbm>>) dst(%arg14 : memref<256xi32, #tpu.memory_space<vmem>>)
      %dma_wait3A_29 = arith.constant 0 : i32
      %dma_wait3A_30 = tpu.memref_slice %arg7[%dma_wait3A_29] : memref<100000xi32, #tpu.memory_space<hbm>> -> memref<100000xi32, #tpu.memory_space<hbm>>
      tpu.wait_indirect_dma semaphore(%arg24 : memref<!tpu.dma_semaphore, #tpu.memory_space<semaphore_mem>>) src(%dma_wait3A_30 : memref<100000xi32, #tpu.memory_space<hbm>>) dst(%arg15 : memref<256xi32, #tpu.memory_space<vmem>>)
      %dma_wait3A_31 = arith.constant 0 : i32
      %dma_wait3A_32 = tpu.memref_slice %arg8[%dma_wait3A_31] : memref<100000xi32, #tpu.memory_space<hbm>> -> memref<100000xi32, #tpu.memory_space<hbm>>
      tpu.wait_indirect_dma semaphore(%arg24 : memref<!tpu.dma_semaphore, #tpu.memory_space<semaphore_mem>>) src(%dma_wait3A_32 : memref<100000xi32, #tpu.memory_space<hbm>>) dst(%arg16 : memref<256xi32, #tpu.memory_space<vmem>>)
      %dma_wait3A_33 = arith.constant 0 : i32
      %dma_wait3A_34 = arith.constant 0 : i32
      %dma_wait3A_35 = tpu.memref_slice %arg3[%dma_wait3A_33, %dma_wait3A_34] : memref<100000x32xf32, #tpu.memory_space<hbm>> -> memref<100000x32xf32, #tpu.memory_space<hbm>>
      tpu.wait_indirect_dma semaphore(%arg24 : memref<!tpu.dma_semaphore, #tpu.memory_space<semaphore_mem>>) src(%dma_wait3A_35 : memref<100000x32xf32, #tpu.memory_space<hbm>>) dst(%arg22 : memref<256x32xf32, #tpu.memory_space<vmem>>)
      %dma_start3A_36 = arith.constant 0 : i32
      %dma_start3A_37 = arith.constant 0 : i32
      %dma_start3A_38 = tpu.memref_slice %arg3[%dma_start3A_36, %dma_start3A_37] : memref<100000x32xf32, #tpu.memory_space<hbm>> -> memref<100000x32xf32, #tpu.memory_space<hbm>>
      tpu.enqueue_indirect_dma source(%dma_start3A_38 : memref<100000x32xf32, #tpu.memory_space<hbm>>) target(%arg17 : memref<256x32xf32, #tpu.memory_space<vmem>>) offsets(%arg12 : memref<256xi32, #tpu.memory_space<vmem>>) semaphore(%arg24 : memref<!tpu.dma_semaphore, #tpu.memory_space<semaphore_mem>>)
      %dma_start3A_39 = arith.constant 0 : i32
      %dma_start3A_40 = arith.constant 0 : i32
      %dma_start3A_41 = tpu.memref_slice %arg3[%dma_start3A_39, %dma_start3A_40] : memref<100000x32xf32, #tpu.memory_space<hbm>> -> memref<100000x32xf32, #tpu.memory_space<hbm>>
      tpu.enqueue_indirect_dma source(%dma_start3A_41 : memref<100000x32xf32, #tpu.memory_space<hbm>>) target(%arg18 : memref<256x32xf32, #tpu.memory_space<vmem>>) offsets(%arg13 : memref<256xi32, #tpu.memory_space<vmem>>) semaphore(%arg24 : memref<!tpu.dma_semaphore, #tpu.memory_space<semaphore_mem>>)
      %dma_start3A_42 = arith.constant 0 : i32
      %dma_start3A_43 = arith.constant 0 : i32
      %dma_start3A_44 = tpu.memref_slice %arg3[%dma_start3A_42, %dma_start3A_43] : memref<100000x32xf32, #tpu.memory_space<hbm>> -> memref<100000x32xf32, #tpu.memory_space<hbm>>
      tpu.enqueue_indirect_dma source(%dma_start3A_44 : memref<100000x32xf32, #tpu.memory_space<hbm>>) target(%arg19 : memref<256x32xf32, #tpu.memory_space<vmem>>) offsets(%arg14 : memref<256xi32, #tpu.memory_space<vmem>>) semaphore(%arg24 : memref<!tpu.dma_semaphore, #tpu.memory_space<semaphore_mem>>)
      %dma_start3A_45 = arith.constant 0 : i32
      %dma_start3A_46 = arith.constant 0 : i32
      %dma_start3A_47 = tpu.memref_slice %arg3[%dma_start3A_45, %dma_start3A_46] : memref<100000x32xf32, #tpu.memory_space<hbm>> -> memref<100000x32xf32, #tpu.memory_space<hbm>>
      tpu.enqueue_indirect_dma source(%dma_start3A_47 : memref<100000x32xf32, #tpu.memory_space<hbm>>) target(%arg20 : memref<256x32xf32, #tpu.memory_space<vmem>>) offsets(%arg15 : memref<256xi32, #tpu.memory_space<vmem>>) semaphore(%arg24 : memref<!tpu.dma_semaphore, #tpu.memory_space<semaphore_mem>>)
      %dma_start3A_48 = arith.constant 0 : i32
      %dma_start3A_49 = arith.constant 0 : i32
      %dma_start3A_50 = tpu.memref_slice %arg3[%dma_start3A_48, %dma_start3A_49] : memref<100000x32xf32, #tpu.memory_space<hbm>> -> memref<100000x32xf32, #tpu.memory_space<hbm>>
      tpu.enqueue_indirect_dma source(%dma_start3A_50 : memref<100000x32xf32, #tpu.memory_space<hbm>>) target(%arg21 : memref<256x32xf32, #tpu.memory_space<vmem>>) offsets(%arg16 : memref<256xi32, #tpu.memory_space<vmem>>) semaphore(%arg24 : memref<!tpu.dma_semaphore, #tpu.memory_space<semaphore_mem>>)
      %dma_wait3A_51 = arith.constant 0 : i32
      %dma_wait3A_52 = arith.constant 0 : i32
      %dma_wait3A_53 = tpu.memref_slice %arg3[%dma_wait3A_51, %dma_wait3A_52] : memref<100000x32xf32, #tpu.memory_space<hbm>> -> memref<100000x32xf32, #tpu.memory_space<hbm>>
      tpu.wait_indirect_dma semaphore(%arg24 : memref<!tpu.dma_semaphore, #tpu.memory_space<semaphore_mem>>) src(%dma_wait3A_53 : memref<100000x32xf32, #tpu.memory_space<hbm>>) dst(%arg17 : memref<256x32xf32, #tpu.memory_space<vmem>>)
      %dma_wait3A_54 = arith.constant 0 : i32
      %dma_wait3A_55 = arith.constant 0 : i32
      %dma_wait3A_56 = tpu.memref_slice %arg3[%dma_wait3A_54, %dma_wait3A_55] : memref<100000x32xf32, #tpu.memory_space<hbm>> -> memref<100000x32xf32, #tpu.memory_space<hbm>>
      tpu.wait_indirect_dma semaphore(%arg24 : memref<!tpu.dma_semaphore, #tpu.memory_space<semaphore_mem>>) src(%dma_wait3A_56 : memref<100000x32xf32, #tpu.memory_space<hbm>>) dst(%arg18 : memref<256x32xf32, #tpu.memory_space<vmem>>)
      %dma_wait3A_57 = arith.constant 0 : i32
      %dma_wait3A_58 = arith.constant 0 : i32
      %dma_wait3A_59 = tpu.memref_slice %arg3[%dma_wait3A_57, %dma_wait3A_58] : memref<100000x32xf32, #tpu.memory_space<hbm>> -> memref<100000x32xf32, #tpu.memory_space<hbm>>
      tpu.wait_indirect_dma semaphore(%arg24 : memref<!tpu.dma_semaphore, #tpu.memory_space<semaphore_mem>>) src(%dma_wait3A_59 : memref<100000x32xf32, #tpu.memory_space<hbm>>) dst(%arg19 : memref<256x32xf32, #tpu.memory_space<vmem>>)
      %dma_wait3A_60 = arith.constant 0 : i32
      %dma_wait3A_61 = arith.constant 0 : i32
      %dma_wait3A_62 = tpu.memref_slice %arg3[%dma_wait3A_60, %dma_wait3A_61] : memref<100000x32xf32, #tpu.memory_space<hbm>> -> memref<100000x32xf32, #tpu.memory_space<hbm>>
      tpu.wait_indirect_dma semaphore(%arg24 : memref<!tpu.dma_semaphore, #tpu.memory_space<semaphore_mem>>) src(%dma_wait3A_62 : memref<100000x32xf32, #tpu.memory_space<hbm>>) dst(%arg20 : memref<256x32xf32, #tpu.memory_space<vmem>>)
      %dma_wait3A_63 = arith.constant 0 : i32
      %dma_wait3A_64 = arith.constant 0 : i32
      %dma_wait3A_65 = tpu.memref_slice %arg3[%dma_wait3A_63, %dma_wait3A_64] : memref<100000x32xf32, #tpu.memory_space<hbm>> -> memref<100000x32xf32, #tpu.memory_space<hbm>>
      tpu.wait_indirect_dma semaphore(%arg24 : memref<!tpu.dma_semaphore, #tpu.memory_space<semaphore_mem>>) src(%dma_wait3A_65 : memref<100000x32xf32, #tpu.memory_space<hbm>>) dst(%arg21 : memref<256x32xf32, #tpu.memory_space<vmem>>)
      "tpu.region"() ({
        %run_scoped3A = tpu.sem_alloc : memref<!tpu.dma_semaphore, #tpu.memory_space<semaphore_mem>>
        %dma_start3A_72 = arith.constant 0 : i32
        %dma_start3A_73 = tpu.memref_slice %arg9[%mul3A_11, %dma_start3A_72] : memref<16384x32xf32, #tpu.memory_space<hbm>> -> memref<256x32xf32, #tpu.memory_space<hbm>>
        %dma_start3A_74 = arith.constant 0 : i32
        %dma_start3A_75 = tpu.memref_slice %arg9[%mul3A_11, %dma_start3A_74] : memref<16384x32xf32, #tpu.memory_space<hbm>> -> memref<256x32xf32, #tpu.memory_space<hbm>>
        tpu.enqueue_dma source(%arg22 : memref<256x32xf32, #tpu.memory_space<vmem>>) target(%dma_start3A_75 : memref<256x32xf32, #tpu.memory_space<hbm>>) target_semaphore(%run_scoped3A : memref<!tpu.dma_semaphore, #tpu.memory_space<semaphore_mem>>)
        %dma_wait3A_76 = arith.constant 0 : i32
        %dma_wait3A_77 = tpu.memref_slice %arg9[%mul3A_11, %dma_wait3A_76] : memref<16384x32xf32, #tpu.memory_space<hbm>> -> memref<256x32xf32, #tpu.memory_space<hbm>>
        %dma_wait3A_78 = arith.constant 0 : i32
        %dma_wait3A_79 = tpu.memref_slice %arg9[%mul3A_11, %dma_wait3A_78] : memref<16384x32xf32, #tpu.memory_space<hbm>> -> memref<256x32xf32, #tpu.memory_space<hbm>>
        tpu.wait_dma2 semaphore(%run_scoped3A : memref<!tpu.dma_semaphore, #tpu.memory_space<semaphore_mem>>) src(%arg22 : memref<256x32xf32, #tpu.memory_space<vmem>>) dst(%dma_wait3A_79 : memref<256x32xf32, #tpu.memory_space<hbm>>)
        tpu.yield
      }) : () -> ()
      %scan3A_66 = arith.constant 0 : i32
      %scan3A_67 = arith.constant 0 : i32
      %scan3A_68 = arith.constant 256 : i32
      %scan3A_69 = arith.addi %scan3A_67, %scan3A_68 : i32
      %scan3A_70 = arith.constant 1 : i32
      scf.for %scan3A_72 = %scan3A_67 to %scan3A_69 step %scan3A_70  : i32 {
        %get3A = arith.index_cast %scan3A_72 : i32 to index
        %get3A_73 = arith.constant 0 : index
        %get3A_74 = tpu.vector_load %arg17[%get3A, %get3A_73] {strides = array<i32>} : memref<256x32xf32, #tpu.memory_space<vmem>>, vector<1x16xf32>,
        %get3A_75 = vector.shape_cast %get3A_74 : vector<1x16xf32> to vector<16xf32>
        %bitcast_convert_type3A = tpu.bitcast %get3A_75 : vector<16xf32> -> vector<16xi32>
        %broadcast_in_dim3A = arith.constant 16 : i32
        %broadcast_in_dim3A_76 = vector.broadcast %broadcast_in_dim3A : i32 to vector<16xi32>
        %shift_left3A = arith.shli %bitcast_convert_type3A, %broadcast_in_dim3A_76 : vector<16xi32>
        %bitcast_convert_type3A_77 = tpu.bitcast %shift_left3A : vector<16xi32> -> vector<16xf32>
        %broadcast_in_dim3A_78 = arith.constant -65536 : i32
        %broadcast_in_dim3A_79 = vector.broadcast %broadcast_in_dim3A_78 : i32 to vector<16xi32>
        %and3A = arith.andi %bitcast_convert_type3A, %broadcast_in_dim3A_79 : vector<16xi32>
        %bitcast_convert_type3A_80 = tpu.bitcast %and3A : vector<16xi32> -> vector<16xf32>
        %get3A_81 = arith.index_cast %scan3A_72 : i32 to index
        %get3A_82 = arith.constant 0 : index
        %get3A_83 = tpu.vector_load %arg18[%get3A_81, %get3A_82] {strides = array<i32>} : memref<256x32xf32, #tpu.memory_space<vmem>>, vector<1x16xf32>,
        %get3A_84 = vector.shape_cast %get3A_83 : vector<1x16xf32> to vector<16xf32>
        %bitcast_convert_type3A_85 = tpu.bitcast %get3A_84 : vector<16xf32> -> vector<16xi32>
        %broadcast_in_dim3A_86 = arith.constant 16 : i32
        %broadcast_in_dim3A_87 = vector.broadcast %broadcast_in_dim3A_86 : i32 to vector<16xi32>
        %shift_left3A_88 = arith.shli %bitcast_convert_type3A_85, %broadcast_in_dim3A_87 : vector<16xi32>
        %bitcast_convert_type3A_89 = tpu.bitcast %shift_left3A_88 : vector<16xi32> -> vector<16xf32>
        %broadcast_in_dim3A_90 = arith.constant -65536 : i32
        %broadcast_in_dim3A_91 = vector.broadcast %broadcast_in_dim3A_90 : i32 to vector<16xi32>
        %and3A_92 = arith.andi %bitcast_convert_type3A_85, %broadcast_in_dim3A_91 : vector<16xi32>
        %bitcast_convert_type3A_93 = tpu.bitcast %and3A_92 : vector<16xi32> -> vector<16xf32>
        %add3A_94 = arith.addf %bitcast_convert_type3A_77, %bitcast_convert_type3A_89 : vector<16xf32>
        %add3A_95 = arith.addf %bitcast_convert_type3A_80, %bitcast_convert_type3A_93 : vector<16xf32>
        %get3A_96 = arith.index_cast %scan3A_72 : i32 to index
        %get3A_97 = arith.constant 0 : index
        %get3A_98 = tpu.vector_load %arg19[%get3A_96, %get3A_97] {strides = array<i32>} : memref<256x32xf32, #tpu.memory_space<vmem>>, vector<1x16xf32>,
        %get3A_99 = vector.shape_cast %get3A_98 : vector<1x16xf32> to vector<16xf32>
        %bitcast_convert_type3A_100 = tpu.bitcast %get3A_99 : vector<16xf32> -> vector<16xi32>
        %broadcast_in_dim3A_101 = arith.constant 16 : i32
        %broadcast_in_dim3A_102 = vector.broadcast %broadcast_in_dim3A_101 : i32 to vector<16xi32>
        %shift_left3A_103 = arith.shli %bitcast_convert_type3A_100, %broadcast_in_dim3A_102 : vector<16xi32>
        %bitcast_convert_type3A_104 = tpu.bitcast %shift_left3A_103 : vector<16xi32> -> vector<16xf32>
        %broadcast_in_dim3A_105 = arith.constant -65536 : i32
        %broadcast_in_dim3A_106 = vector.broadcast %broadcast_in_dim3A_105 : i32 to vector<16xi32>
        %and3A_107 = arith.andi %bitcast_convert_type3A_100, %broadcast_in_dim3A_106 : vector<16xi32>
        %bitcast_convert_type3A_108 = tpu.bitcast %and3A_107 : vector<16xi32> -> vector<16xf32>
        %add3A_109 = arith.addf %add3A_94, %bitcast_convert_type3A_104 : vector<16xf32>
        %add3A_110 = arith.addf %add3A_95, %bitcast_convert_type3A_108 : vector<16xf32>
        %get3A_111 = arith.index_cast %scan3A_72 : i32 to index
        %get3A_112 = arith.constant 0 : index
        %get3A_113 = tpu.vector_load %arg20[%get3A_111, %get3A_112] {strides = array<i32>} : memref<256x32xf32, #tpu.memory_space<vmem>>, vector<1x16xf32>,
        %get3A_114 = vector.shape_cast %get3A_113 : vector<1x16xf32> to vector<16xf32>
        %bitcast_convert_type3A_115 = tpu.bitcast %get3A_114 : vector<16xf32> -> vector<16xi32>
        %broadcast_in_dim3A_116 = arith.constant 16 : i32
        %broadcast_in_dim3A_117 = vector.broadcast %broadcast_in_dim3A_116 : i32 to vector<16xi32>
        %shift_left3A_118 = arith.shli %bitcast_convert_type3A_115, %broadcast_in_dim3A_117 : vector<16xi32>
        %bitcast_convert_type3A_119 = tpu.bitcast %shift_left3A_118 : vector<16xi32> -> vector<16xf32>
        %broadcast_in_dim3A_120 = arith.constant -65536 : i32
        %broadcast_in_dim3A_121 = vector.broadcast %broadcast_in_dim3A_120 : i32 to vector<16xi32>
        %and3A_122 = arith.andi %bitcast_convert_type3A_115, %broadcast_in_dim3A_121 : vector<16xi32>
        %bitcast_convert_type3A_123 = tpu.bitcast %and3A_122 : vector<16xi32> -> vector<16xf32>
        %add3A_124 = arith.addf %add3A_109, %bitcast_convert_type3A_119 : vector<16xf32>
        %add3A_125 = arith.addf %add3A_110, %bitcast_convert_type3A_123 : vector<16xf32>
        %get3A_126 = arith.index_cast %scan3A_72 : i32 to index
        %get3A_127 = arith.constant 0 : index
        %get3A_128 = tpu.vector_load %arg21[%get3A_126, %get3A_127] {strides = array<i32>} : memref<256x32xf32, #tpu.memory_space<vmem>>, vector<1x16xf32>,
        %get3A_129 = vector.shape_cast %get3A_128 : vector<1x16xf32> to vector<16xf32>
        %bitcast_convert_type3A_130 = tpu.bitcast %get3A_129 : vector<16xf32> -> vector<16xi32>
        %broadcast_in_dim3A_131 = arith.constant 16 : i32
        %broadcast_in_dim3A_132 = vector.broadcast %broadcast_in_dim3A_131 : i32 to vector<16xi32>
        %shift_left3A_133 = arith.shli %bitcast_convert_type3A_130, %broadcast_in_dim3A_132 : vector<16xi32>
        %bitcast_convert_type3A_134 = tpu.bitcast %shift_left3A_133 : vector<16xi32> -> vector<16xf32>
        %broadcast_in_dim3A_135 = arith.constant -65536 : i32
        %broadcast_in_dim3A_136 = vector.broadcast %broadcast_in_dim3A_135 : i32 to vector<16xi32>
        %and3A_137 = arith.andi %bitcast_convert_type3A_130, %broadcast_in_dim3A_136 : vector<16xi32>
        %bitcast_convert_type3A_138 = tpu.bitcast %and3A_137 : vector<16xi32> -> vector<16xf32>
        %add3A_139 = arith.addf %add3A_124, %bitcast_convert_type3A_134 : vector<16xf32>
        %add3A_140 = arith.addf %add3A_125, %bitcast_convert_type3A_138 : vector<16xf32>
        %mul3A_141 = arith.constant 2.000000e-01 : f32
        %mul3A_142 = vector.broadcast %mul3A_141 : f32 to vector<16xf32>
        %mul3A_143 = arith.mulf %mul3A_142, %add3A_139 : vector<16xf32>
        %mul3A_144 = arith.constant 2.000000e-01 : f32
        %mul3A_145 = vector.broadcast %mul3A_144 : f32 to vector<16xf32>
        %mul3A_146 = arith.mulf %mul3A_145, %add3A_140 : vector<16xf32>
        %bitcast_convert_type3A_147 = tpu.bitcast %mul3A_143 : vector<16xf32> -> vector<16xi32>
        %bitcast_convert_type3A_148 = tpu.bitcast %mul3A_146 : vector<16xf32> -> vector<16xi32>
        %broadcast_in_dim3A_149 = arith.constant 32768 : i32
        %broadcast_in_dim3A_150 = vector.broadcast %broadcast_in_dim3A_149 : i32 to vector<16xi32>
        %add3A_151 = arith.addi %bitcast_convert_type3A_147, %broadcast_in_dim3A_150 : vector<16xi32>
        %broadcast_in_dim3A_152 = arith.constant 16 : i32
        %broadcast_in_dim3A_153 = vector.broadcast %broadcast_in_dim3A_152 : i32 to vector<16xi32>
        %shift_right_arithmetic3A = arith.shrsi %add3A_151, %broadcast_in_dim3A_153 : vector<16xi32>
        %broadcast_in_dim3A_154 = arith.constant 65535 : i32
        %broadcast_in_dim3A_155 = vector.broadcast %broadcast_in_dim3A_154 : i32 to vector<16xi32>
        %and3A_156 = arith.andi %shift_right_arithmetic3A, %broadcast_in_dim3A_155 : vector<16xi32>
        %broadcast_in_dim3A_157 = arith.constant 32768 : i32
        %broadcast_in_dim3A_158 = vector.broadcast %broadcast_in_dim3A_157 : i32 to vector<16xi32>
        %add3A_159 = arith.addi %bitcast_convert_type3A_148, %broadcast_in_dim3A_158 : vector<16xi32>
        %broadcast_in_dim3A_160 = arith.constant -65536 : i32
        %broadcast_in_dim3A_161 = vector.broadcast %broadcast_in_dim3A_160 : i32 to vector<16xi32>
        %and3A_162 = arith.andi %add3A_159, %broadcast_in_dim3A_161 : vector<16xi32>
        %or3A = arith.ori %and3A_156, %and3A_162 : vector<16xi32>
        %bitcast_convert_type3A_163 = tpu.bitcast %or3A : vector<16xi32> -> vector<16xf32>
        %swap3A = arith.index_cast %scan3A_72 : i32 to index
        %swap3A_164 = arith.constant 0 : index
        %swap3A_165 = tpu.vector_load %arg23[%swap3A, %swap3A_164] {strides = array<i32>} : memref<256x32xf32, #tpu.memory_space<vmem>>, vector<1x16xf32>,
        %swap3A_166 = vector.shape_cast %swap3A_165 : vector<1x16xf32> to vector<16xf32>
        %swap3A_167 = vector.shape_cast %bitcast_convert_type3A_163 : vector<16xf32> to vector<1x16xf32>
        tpu.vector_store %arg23[%swap3A, %swap3A_164], %swap3A_167 {strides = array<i32>} : memref<256x32xf32, #tpu.memory_space<vmem>>, vector<1x16xf32>,
        %get3A_168 = arith.index_cast %scan3A_72 : i32 to index
        %get3A_169 = arith.constant 16 : index
        %get3A_170 = tpu.vector_load %arg17[%get3A_168, %get3A_169] {strides = array<i32>} : memref<256x32xf32, #tpu.memory_space<vmem>>, vector<1x16xf32>,
        %get3A_171 = vector.shape_cast %get3A_170 : vector<1x16xf32> to vector<16xf32>
        %bitcast_convert_type3A_172 = tpu.bitcast %get3A_171 : vector<16xf32> -> vector<16xi32>
        %broadcast_in_dim3A_173 = arith.constant 16 : i32
        %broadcast_in_dim3A_174 = vector.broadcast %broadcast_in_dim3A_173 : i32 to vector<16xi32>
        %shift_left3A_175 = arith.shli %bitcast_convert_type3A_172, %broadcast_in_dim3A_174 : vector<16xi32>
        %bitcast_convert_type3A_176 = tpu.bitcast %shift_left3A_175 : vector<16xi32> -> vector<16xf32>
        %broadcast_in_dim3A_177 = arith.constant -65536 : i32
        %broadcast_in_dim3A_178 = vector.broadcast %broadcast_in_dim3A_177 : i32 to vector<16xi32>
        %and3A_179 = arith.andi %bitcast_convert_type3A_172, %broadcast_in_dim3A_178 : vector<16xi32>
        %bitcast_convert_type3A_180 = tpu.bitcast %and3A_179 : vector<16xi32> -> vector<16xf32>
        %get3A_181 = arith.index_cast %scan3A_72 : i32 to index
        %get3A_182 = arith.constant 16 : index
        %get3A_183 = tpu.vector_load %arg18[%get3A_181, %get3A_182] {strides = array<i32>} : memref<256x32xf32, #tpu.memory_space<vmem>>, vector<1x16xf32>,
        %get3A_184 = vector.shape_cast %get3A_183 : vector<1x16xf32> to vector<16xf32>
        %bitcast_convert_type3A_185 = tpu.bitcast %get3A_184 : vector<16xf32> -> vector<16xi32>
        %broadcast_in_dim3A_186 = arith.constant 16 : i32
        %broadcast_in_dim3A_187 = vector.broadcast %broadcast_in_dim3A_186 : i32 to vector<16xi32>
        %shift_left3A_188 = arith.shli %bitcast_convert_type3A_185, %broadcast_in_dim3A_187 : vector<16xi32>
        %bitcast_convert_type3A_189 = tpu.bitcast %shift_left3A_188 : vector<16xi32> -> vector<16xf32>
        %broadcast_in_dim3A_190 = arith.constant -65536 : i32
        %broadcast_in_dim3A_191 = vector.broadcast %broadcast_in_dim3A_190 : i32 to vector<16xi32>
        %and3A_192 = arith.andi %bitcast_convert_type3A_185, %broadcast_in_dim3A_191 : vector<16xi32>
        %bitcast_convert_type3A_193 = tpu.bitcast %and3A_192 : vector<16xi32> -> vector<16xf32>
        %add3A_194 = arith.addf %bitcast_convert_type3A_176, %bitcast_convert_type3A_189 : vector<16xf32>
        %add3A_195 = arith.addf %bitcast_convert_type3A_180, %bitcast_convert_type3A_193 : vector<16xf32>
        %get3A_196 = arith.index_cast %scan3A_72 : i32 to index
        %get3A_197 = arith.constant 16 : index
        %get3A_198 = tpu.vector_load %arg19[%get3A_196, %get3A_197] {strides = array<i32>} : memref<256x32xf32, #tpu.memory_space<vmem>>, vector<1x16xf32>,
        %get3A_199 = vector.shape_cast %get3A_198 : vector<1x16xf32> to vector<16xf32>
        %bitcast_convert_type3A_200 = tpu.bitcast %get3A_199 : vector<16xf32> -> vector<16xi32>
        %broadcast_in_dim3A_201 = arith.constant 16 : i32
        %broadcast_in_dim3A_202 = vector.broadcast %broadcast_in_dim3A_201 : i32 to vector<16xi32>
        %shift_left3A_203 = arith.shli %bitcast_convert_type3A_200, %broadcast_in_dim3A_202 : vector<16xi32>
        %bitcast_convert_type3A_204 = tpu.bitcast %shift_left3A_203 : vector<16xi32> -> vector<16xf32>
        %broadcast_in_dim3A_205 = arith.constant -65536 : i32
        %broadcast_in_dim3A_206 = vector.broadcast %broadcast_in_dim3A_205 : i32 to vector<16xi32>
        %and3A_207 = arith.andi %bitcast_convert_type3A_200, %broadcast_in_dim3A_206 : vector<16xi32>
        %bitcast_convert_type3A_208 = tpu.bitcast %and3A_207 : vector<16xi32> -> vector<16xf32>
        %add3A_209 = arith.addf %add3A_194, %bitcast_convert_type3A_204 : vector<16xf32>
        %add3A_210 = arith.addf %add3A_195, %bitcast_convert_type3A_208 : vector<16xf32>
        %get3A_211 = arith.index_cast %scan3A_72 : i32 to index
        %get3A_212 = arith.constant 16 : index
        %get3A_213 = tpu.vector_load %arg20[%get3A_211, %get3A_212] {strides = array<i32>} : memref<256x32xf32, #tpu.memory_space<vmem>>, vector<1x16xf32>,
        %get3A_214 = vector.shape_cast %get3A_213 : vector<1x16xf32> to vector<16xf32>
        %bitcast_convert_type3A_215 = tpu.bitcast %get3A_214 : vector<16xf32> -> vector<16xi32>
        %broadcast_in_dim3A_216 = arith.constant 16 : i32
        %broadcast_in_dim3A_217 = vector.broadcast %broadcast_in_dim3A_216 : i32 to vector<16xi32>
        %shift_left3A_218 = arith.shli %bitcast_convert_type3A_215, %broadcast_in_dim3A_217 : vector<16xi32>
        %bitcast_convert_type3A_219 = tpu.bitcast %shift_left3A_218 : vector<16xi32> -> vector<16xf32>
        %broadcast_in_dim3A_220 = arith.constant -65536 : i32
        %broadcast_in_dim3A_221 = vector.broadcast %broadcast_in_dim3A_220 : i32 to vector<16xi32>
        %and3A_222 = arith.andi %bitcast_convert_type3A_215, %broadcast_in_dim3A_221 : vector<16xi32>
        %bitcast_convert_type3A_223 = tpu.bitcast %and3A_222 : vector<16xi32> -> vector<16xf32>
        %add3A_224 = arith.addf %add3A_209, %bitcast_convert_type3A_219 : vector<16xf32>
        %add3A_225 = arith.addf %add3A_210, %bitcast_convert_type3A_223 : vector<16xf32>
        %get3A_226 = arith.index_cast %scan3A_72 : i32 to index
        %get3A_227 = arith.constant 16 : index
        %get3A_228 = tpu.vector_load %arg21[%get3A_226, %get3A_227] {strides = array<i32>} : memref<256x32xf32, #tpu.memory_space<vmem>>, vector<1x16xf32>,
        %get3A_229 = vector.shape_cast %get3A_228 : vector<1x16xf32> to vector<16xf32>
        %bitcast_convert_type3A_230 = tpu.bitcast %get3A_229 : vector<16xf32> -> vector<16xi32>
        %broadcast_in_dim3A_231 = arith.constant 16 : i32
        %broadcast_in_dim3A_232 = vector.broadcast %broadcast_in_dim3A_231 : i32 to vector<16xi32>
        %shift_left3A_233 = arith.shli %bitcast_convert_type3A_230, %broadcast_in_dim3A_232 : vector<16xi32>
        %bitcast_convert_type3A_234 = tpu.bitcast %shift_left3A_233 : vector<16xi32> -> vector<16xf32>
        %broadcast_in_dim3A_235 = arith.constant -65536 : i32
        %broadcast_in_dim3A_236 = vector.broadcast %broadcast_in_dim3A_235 : i32 to vector<16xi32>
        %and3A_237 = arith.andi %bitcast_convert_type3A_230, %broadcast_in_dim3A_236 : vector<16xi32>
        %bitcast_convert_type3A_238 = tpu.bitcast %and3A_237 : vector<16xi32> -> vector<16xf32>
        %add3A_239 = arith.addf %add3A_224, %bitcast_convert_type3A_234 : vector<16xf32>
        %add3A_240 = arith.addf %add3A_225, %bitcast_convert_type3A_238 : vector<16xf32>
        %mul3A_241 = arith.constant 2.000000e-01 : f32
        %mul3A_242 = vector.broadcast %mul3A_241 : f32 to vector<16xf32>
        %mul3A_243 = arith.mulf %mul3A_242, %add3A_239 : vector<16xf32>
        %mul3A_244 = arith.constant 2.000000e-01 : f32
        %mul3A_245 = vector.broadcast %mul3A_244 : f32 to vector<16xf32>
        %mul3A_246 = arith.mulf %mul3A_245, %add3A_240 : vector<16xf32>
        %bitcast_convert_type3A_247 = tpu.bitcast %mul3A_243 : vector<16xf32> -> vector<16xi32>
        %bitcast_convert_type3A_248 = tpu.bitcast %mul3A_246 : vector<16xf32> -> vector<16xi32>
        %broadcast_in_dim3A_249 = arith.constant 32768 : i32
        %broadcast_in_dim3A_250 = vector.broadcast %broadcast_in_dim3A_249 : i32 to vector<16xi32>
        %add3A_251 = arith.addi %bitcast_convert_type3A_247, %broadcast_in_dim3A_250 : vector<16xi32>
        %broadcast_in_dim3A_252 = arith.constant 16 : i32
        %broadcast_in_dim3A_253 = vector.broadcast %broadcast_in_dim3A_252 : i32 to vector<16xi32>
        %shift_right_arithmetic3A_254 = arith.shrsi %add3A_251, %broadcast_in_dim3A_253 : vector<16xi32>
        %broadcast_in_dim3A_255 = arith.constant 65535 : i32
        %broadcast_in_dim3A_256 = vector.broadcast %broadcast_in_dim3A_255 : i32 to vector<16xi32>
        %and3A_257 = arith.andi %shift_right_arithmetic3A_254, %broadcast_in_dim3A_256 : vector<16xi32>
        %broadcast_in_dim3A_258 = arith.constant 32768 : i32
        %broadcast_in_dim3A_259 = vector.broadcast %broadcast_in_dim3A_258 : i32 to vector<16xi32>
        %add3A_260 = arith.addi %bitcast_convert_type3A_248, %broadcast_in_dim3A_259 : vector<16xi32>
        %broadcast_in_dim3A_261 = arith.constant -65536 : i32
        %broadcast_in_dim3A_262 = vector.broadcast %broadcast_in_dim3A_261 : i32 to vector<16xi32>
        %and3A_263 = arith.andi %add3A_260, %broadcast_in_dim3A_262 : vector<16xi32>
        %or3A_264 = arith.ori %and3A_257, %and3A_263 : vector<16xi32>
        %bitcast_convert_type3A_265 = tpu.bitcast %or3A_264 : vector<16xi32> -> vector<16xf32>
        %swap3A_266 = arith.index_cast %scan3A_72 : i32 to index
        %swap3A_267 = arith.constant 16 : index
        %swap3A_268 = tpu.vector_load %arg23[%swap3A_266, %swap3A_267] {strides = array<i32>} : memref<256x32xf32, #tpu.memory_space<vmem>>, vector<1x16xf32>,
        %swap3A_269 = vector.shape_cast %swap3A_268 : vector<1x16xf32> to vector<16xf32>
        %swap3A_270 = vector.shape_cast %bitcast_convert_type3A_265 : vector<16xf32> to vector<1x16xf32>
        tpu.vector_store %arg23[%swap3A_266, %swap3A_267], %swap3A_270 {strides = array<i32>} : memref<256x32xf32, #tpu.memory_space<vmem>>, vector<1x16xf32>,
      }
      %scan3A_71 = arith.constant 256 : i32
      "tpu.region"() ({
        %run_scoped3A = tpu.sem_alloc : memref<!tpu.dma_semaphore, #tpu.memory_space<semaphore_mem>>
        %dma_start3A_72 = arith.constant 0 : i32
        %dma_start3A_73 = tpu.memref_slice %arg10[%mul3A_11, %dma_start3A_72] : memref<16384x32xf32, #tpu.memory_space<hbm>> -> memref<256x32xf32, #tpu.memory_space<hbm>>
        %dma_start3A_74 = arith.constant 0 : i32
        %dma_start3A_75 = tpu.memref_slice %arg10[%mul3A_11, %dma_start3A_74] : memref<16384x32xf32, #tpu.memory_space<hbm>> -> memref<256x32xf32, #tpu.memory_space<hbm>>
        tpu.enqueue_dma source(%arg23 : memref<256x32xf32, #tpu.memory_space<vmem>>) target(%dma_start3A_75 : memref<256x32xf32, #tpu.memory_space<hbm>>) target_semaphore(%run_scoped3A : memref<!tpu.dma_semaphore, #tpu.memory_space<semaphore_mem>>)
        %dma_wait3A_76 = arith.constant 0 : i32
        %dma_wait3A_77 = tpu.memref_slice %arg10[%mul3A_11, %dma_wait3A_76] : memref<16384x32xf32, #tpu.memory_space<hbm>> -> memref<256x32xf32, #tpu.memory_space<hbm>>
        %dma_wait3A_78 = arith.constant 0 : i32
        %dma_wait3A_79 = tpu.memref_slice %arg10[%mul3A_11, %dma_wait3A_78] : memref<16384x32xf32, #tpu.memory_space<hbm>> -> memref<256x32xf32, #tpu.memory_space<hbm>>
        tpu.wait_dma2 semaphore(%run_scoped3A : memref<!tpu.dma_semaphore, #tpu.memory_space<semaphore_mem>>) src(%arg23 : memref<256x32xf32, #tpu.memory_space<vmem>>) dst(%dma_wait3A_79 : memref<256x32xf32, #tpu.memory_space<hbm>>)
        tpu.yield
      }) : () -> ()
    }
    %scan3A_5 = arith.constant 2 : i32
    return
  }
}

module attributes {stable_mosaic.version = 14 : i64} {
  func.func @_proj_body(%arg0: i32, %arg1: memref<2000x128xf32, #tpu.memory_space<vmem>>, %arg2: memref<64x128xf32, #tpu.memory_space<vmem>>, %arg3: memref<64x128xf32, #tpu.memory_space<vmem>>, %arg4: memref<2000x32xf32, #tpu.memory_space<vmem>>, %arg5: memref<2000x32xf32, #tpu.memory_space<vmem>>) attributes {dimension_semantics = [#tpu.dimension_semantics<arbitrary>], iteration_bounds = array<i64: 50>, scalar_prefetch = 0 : i64, scratch_operands = 0 : i64, tpu.core_type = #tpu.core_type<tc>, window_params = [{transform_indices = @transform_0, window_bounds = array<i64: 2000, 128>}, {pipeline_mode = #tpu.pipeline_mode<synchronous>, transform_indices = @transform_1, window_bounds = array<i64: 64, 128>}, {pipeline_mode = #tpu.pipeline_mode<synchronous>, transform_indices = @transform_2, window_bounds = array<i64: 64, 128>}, {transform_indices = @transform_3, window_bounds = array<i64: 2000, 32>}, {transform_indices = @transform_4, window_bounds = array<i64: 2000, 32>}]} {
    %get3A = arith.constant 0 : index
    %get3A_0 = arith.constant 0 : index
    %get3A_1 = vector.load %arg1[%get3A, %get3A_0] : memref<2000x128xf32, #tpu.memory_space<vmem>>, vector<2000x128xf32>
    %get3A_2 = arith.constant 0 : index
    %get3A_3 = arith.constant 0 : index
    %get3A_4 = vector.load %arg2[%get3A_2, %get3A_3] : memref<64x128xf32, #tpu.memory_space<vmem>>, vector<64x128xf32>
    %dot_general3A = arith.constant dense<0.000000e+00> : vector<2000x64xf32>
    %dot_general3A_5 = tpu.matmul %get3A_1, %get3A_4, %dot_general3A {dimension_numbers = #tpu.dot_dimension_numbers<[1], [1], [0], [0], [0, 0, 1, 0], [], []>, transpose_lhs_hint = false} : vector<2000x128xf32>, vector<64x128xf32>, vector<2000x64xf32> -> vector<2000x64xf32>
    %slice3A = vector.extract_strided_slice %dot_general3A_5 {offsets = [0, 0], sizes = [2000, 32], strides = [1, 1]} : vector<2000x64xf32> to vector<2000x32xf32>
    %slice3A_6 = vector.extract_strided_slice %dot_general3A_5 {offsets = [0, 32], sizes = [2000, 32], strides = [1, 1]} : vector<2000x64xf32> to vector<2000x32xf32>
    %bitcast_convert_type3A = tpu.bitcast %slice3A : vector<2000x32xf32> -> vector<2000x32xi32>
    %bitcast_convert_type3A_7 = tpu.bitcast %slice3A_6 : vector<2000x32xf32> -> vector<2000x32xi32>
    %broadcast_in_dim3A = arith.constant 32768 : i32
    %broadcast_in_dim3A_8 = vector.broadcast %broadcast_in_dim3A : i32 to vector<2000x32xi32>
    %add3A = arith.addi %bitcast_convert_type3A, %broadcast_in_dim3A_8 : vector<2000x32xi32>
    %broadcast_in_dim3A_9 = arith.constant 16 : i32
    %broadcast_in_dim3A_10 = vector.broadcast %broadcast_in_dim3A_9 : i32 to vector<2000x32xi32>
    %shift_right_arithmetic3A = arith.shrsi %add3A, %broadcast_in_dim3A_10 : vector<2000x32xi32>
    %broadcast_in_dim3A_11 = arith.constant 65535 : i32
    %broadcast_in_dim3A_12 = vector.broadcast %broadcast_in_dim3A_11 : i32 to vector<2000x32xi32>
    %and3A = arith.andi %shift_right_arithmetic3A, %broadcast_in_dim3A_12 : vector<2000x32xi32>
    %broadcast_in_dim3A_13 = arith.constant 32768 : i32
    %broadcast_in_dim3A_14 = vector.broadcast %broadcast_in_dim3A_13 : i32 to vector<2000x32xi32>
    %add3A_15 = arith.addi %bitcast_convert_type3A_7, %broadcast_in_dim3A_14 : vector<2000x32xi32>
    %broadcast_in_dim3A_16 = arith.constant -65536 : i32
    %broadcast_in_dim3A_17 = vector.broadcast %broadcast_in_dim3A_16 : i32 to vector<2000x32xi32>
    %and3A_18 = arith.andi %add3A_15, %broadcast_in_dim3A_17 : vector<2000x32xi32>
    %or3A = arith.ori %and3A, %and3A_18 : vector<2000x32xi32>
    %bitcast_convert_type3A_19 = tpu.bitcast %or3A : vector<2000x32xi32> -> vector<2000x32xf32>
    %swap3A = arith.constant 0 : index
    %swap3A_20 = arith.constant 0 : index
    %swap3A_21 = vector.load %arg4[%swap3A, %swap3A_20] : memref<2000x32xf32, #tpu.memory_space<vmem>>, vector<2000x32xf32>
    tpu.vector_store %arg4[%swap3A, %swap3A_20], %bitcast_convert_type3A_19 {strides = array<i32>} : memref<2000x32xf32, #tpu.memory_space<vmem>>, vector<2000x32xf32>,
    %get3A_22 = arith.constant 0 : index
    %get3A_23 = arith.constant 0 : index
    %get3A_24 = vector.load %arg3[%get3A_22, %get3A_23] : memref<64x128xf32, #tpu.memory_space<vmem>>, vector<64x128xf32>
    %dot_general3A_25 = arith.constant dense<0.000000e+00> : vector<2000x64xf32>
    %dot_general3A_26 = tpu.matmul %get3A_1, %get3A_24, %dot_general3A_25 {dimension_numbers = #tpu.dot_dimension_numbers<[1], [1], [0], [0], [0, 0, 1, 0], [], []>, transpose_lhs_hint = false} : vector<2000x128xf32>, vector<64x128xf32>, vector<2000x64xf32> -> vector<2000x64xf32>
    %slice3A_27 = vector.extract_strided_slice %dot_general3A_26 {offsets = [0, 0], sizes = [2000, 32], strides = [1, 1]} : vector<2000x64xf32> to vector<2000x32xf32>
    %slice3A_28 = vector.extract_strided_slice %dot_general3A_26 {offsets = [0, 32], sizes = [2000, 32], strides = [1, 1]} : vector<2000x64xf32> to vector<2000x32xf32>
    %bitcast_convert_type3A_29 = tpu.bitcast %slice3A_27 : vector<2000x32xf32> -> vector<2000x32xi32>
    %bitcast_convert_type3A_30 = tpu.bitcast %slice3A_28 : vector<2000x32xf32> -> vector<2000x32xi32>
    %broadcast_in_dim3A_31 = arith.constant 32768 : i32
    %broadcast_in_dim3A_32 = vector.broadcast %broadcast_in_dim3A_31 : i32 to vector<2000x32xi32>
    %add3A_33 = arith.addi %bitcast_convert_type3A_29, %broadcast_in_dim3A_32 : vector<2000x32xi32>
    %broadcast_in_dim3A_34 = arith.constant 16 : i32
    %broadcast_in_dim3A_35 = vector.broadcast %broadcast_in_dim3A_34 : i32 to vector<2000x32xi32>
    %shift_right_arithmetic3A_36 = arith.shrsi %add3A_33, %broadcast_in_dim3A_35 : vector<2000x32xi32>
    %broadcast_in_dim3A_37 = arith.constant 65535 : i32
    %broadcast_in_dim3A_38 = vector.broadcast %broadcast_in_dim3A_37 : i32 to vector<2000x32xi32>
    %and3A_39 = arith.andi %shift_right_arithmetic3A_36, %broadcast_in_dim3A_38 : vector<2000x32xi32>
    %broadcast_in_dim3A_40 = arith.constant 32768 : i32
    %broadcast_in_dim3A_41 = vector.broadcast %broadcast_in_dim3A_40 : i32 to vector<2000x32xi32>
    %add3A_42 = arith.addi %bitcast_convert_type3A_30, %broadcast_in_dim3A_41 : vector<2000x32xi32>
    %broadcast_in_dim3A_43 = arith.constant -65536 : i32
    %broadcast_in_dim3A_44 = vector.broadcast %broadcast_in_dim3A_43 : i32 to vector<2000x32xi32>
    %and3A_45 = arith.andi %add3A_42, %broadcast_in_dim3A_44 : vector<2000x32xi32>
    %or3A_46 = arith.ori %and3A_39, %and3A_45 : vector<2000x32xi32>
    %bitcast_convert_type3A_47 = tpu.bitcast %or3A_46 : vector<2000x32xi32> -> vector<2000x32xf32>
    %swap3A_48 = arith.constant 0 : index
    %swap3A_49 = arith.constant 0 : index
    %swap3A_50 = vector.load %arg5[%swap3A_48, %swap3A_49] : memref<2000x32xf32, #tpu.memory_space<vmem>>, vector<2000x32xf32>
    tpu.vector_store %arg5[%swap3A_48, %swap3A_49], %bitcast_convert_type3A_47 {strides = array<i32>} : memref<2000x32xf32, #tpu.memory_space<vmem>>, vector<2000x32xf32>,
    return
  }
  func.func @transform_0(%arg0: i32) -> (i32, i32) {
    %c0_i32 = arith.constant 0 : i32
    %c0_i32_0 = arith.constant 0 : i32
    return %arg0, %c0_i32 : i32, i32
  }
  func.func @transform_1(%arg0: i32) -> (i32, i32) {
    %c0_i32 = arith.constant 0 : i32
    %c0_i32_0 = arith.constant 0 : i32
    %c0_i32_1 = arith.constant 0 : i32
    return %c0_i32, %c0_i32_0 : i32, i32
  }
  func.func @transform_2(%arg0: i32) -> (i32, i32) {
    %c0_i32 = arith.constant 0 : i32
    %c0_i32_0 = arith.constant 0 : i32
    %c0_i32_1 = arith.constant 0 : i32
    return %c0_i32, %c0_i32_0 : i32, i32
  }
  func.func @transform_3(%arg0: i32) -> (i32, i32) {
    %c0_i32 = arith.constant 0 : i32
    %c0_i32_0 = arith.constant 0 : i32
    return %arg0, %c0_i32 : i32, i32
  }
  func.func @transform_4(%arg0: i32) -> (i32, i32) {
    %c0_i32 = arith.constant 0 : i32
    %c0_i32_0 = arith.constant 0 : i32
    return %arg0, %c0_i32 : i32, i32
  }
}

module attributes {stable_mosaic.version = 14 : i64} {
  func.func @_head_body(%arg0: i32, %arg1: memref<2048x32xf32, #tpu.memory_space<vmem>>, %arg2: memref<2048x32xf32, #tpu.memory_space<vmem>>, %arg3: memref<64x32xf32, #tpu.memory_space<vmem>>, %arg4: memref<64x32xf32, #tpu.memory_space<vmem>>, %arg5: memref<64x32xf32, #tpu.memory_space<vmem>>, %arg6: memref<64x32xf32, #tpu.memory_space<vmem>>, %arg7: memref<16x64xf32, #tpu.memory_space<vmem>>, %arg8: memref<2048x16xf32, #tpu.memory_space<vmem>>) attributes {dimension_semantics = [#tpu.dimension_semantics<arbitrary>], iteration_bounds = array<i64: 8>, scalar_prefetch = 0 : i64, scratch_operands = 0 : i64, tpu.core_type = #tpu.core_type<tc>, window_params = [{transform_indices = @transform_0, window_bounds = array<i64: 2048, 32>}, {transform_indices = @transform_1, window_bounds = array<i64: 2048, 32>}, {pipeline_mode = #tpu.pipeline_mode<synchronous>, transform_indices = @transform_2, window_bounds = array<i64: 64, 32>}, {pipeline_mode = #tpu.pipeline_mode<synchronous>, transform_indices = @transform_3, window_bounds = array<i64: 64, 32>}, {pipeline_mode = #tpu.pipeline_mode<synchronous>, transform_indices = @transform_4, window_bounds = array<i64: 64, 32>}, {pipeline_mode = #tpu.pipeline_mode<synchronous>, transform_indices = @transform_5, window_bounds = array<i64: 64, 32>}, {pipeline_mode = #tpu.pipeline_mode<synchronous>, transform_indices = @transform_6, window_bounds = array<i64: 16, 64>}, {transform_indices = @transform_7, window_bounds = array<i64: 2048, 16>}]} {
    %get3A = arith.constant 0 : index
    %get3A_0 = arith.constant 0 : index
    %get3A_1 = vector.load %arg1[%get3A, %get3A_0] : memref<2048x32xf32, #tpu.memory_space<vmem>>, vector<2048x32xf32>
    %bitcast_convert_type3A = tpu.bitcast %get3A_1 : vector<2048x32xf32> -> vector<2048x32xi32>
    %broadcast_in_dim3A = arith.constant 16 : i32
    %broadcast_in_dim3A_2 = vector.broadcast %broadcast_in_dim3A : i32 to vector<2048x32xi32>
    %shift_left3A = arith.shli %bitcast_convert_type3A, %broadcast_in_dim3A_2 : vector<2048x32xi32>
    %bitcast_convert_type3A_3 = tpu.bitcast %shift_left3A : vector<2048x32xi32> -> vector<2048x32xf32>
    %broadcast_in_dim3A_4 = arith.constant -65536 : i32
    %broadcast_in_dim3A_5 = vector.broadcast %broadcast_in_dim3A_4 : i32 to vector<2048x32xi32>
    %and3A = arith.andi %bitcast_convert_type3A, %broadcast_in_dim3A_5 : vector<2048x32xi32>
    %bitcast_convert_type3A_6 = tpu.bitcast %and3A : vector<2048x32xi32> -> vector<2048x32xf32>
    %get3A_7 = arith.constant 0 : index
    %get3A_8 = arith.constant 0 : index
    %get3A_9 = vector.load %arg3[%get3A_7, %get3A_8] : memref<64x32xf32, #tpu.memory_space<vmem>>, vector<64x32xf32>
    %dot_general3A = arith.constant dense<0.000000e+00> : vector<2048x64xf32>
    %dot_general3A_10 = tpu.matmul %bitcast_convert_type3A_3, %get3A_9, %dot_general3A {dimension_numbers = #tpu.dot_dimension_numbers<[1], [1], [0], [0], [0, 0, 1, 0], [], []>, transpose_lhs_hint = false} : vector<2048x32xf32>, vector<64x32xf32>, vector<2048x64xf32> -> vector<2048x64xf32>
    %get3A_11 = arith.constant 0 : index
    %get3A_12 = arith.constant 0 : index
    %get3A_13 = vector.load %arg4[%get3A_11, %get3A_12] : memref<64x32xf32, #tpu.memory_space<vmem>>, vector<64x32xf32>
    %dot_general3A_14 = arith.constant dense<0.000000e+00> : vector<2048x64xf32>
    %dot_general3A_15 = tpu.matmul %bitcast_convert_type3A_6, %get3A_13, %dot_general3A_14 {dimension_numbers = #tpu.dot_dimension_numbers<[1], [1], [0], [0], [0, 0, 1, 0], [], []>, transpose_lhs_hint = false} : vector<2048x32xf32>, vector<64x32xf32>, vector<2048x64xf32> -> vector<2048x64xf32>
    %add3A = arith.addf %dot_general3A_10, %dot_general3A_15 : vector<2048x64xf32>
    %get3A_16 = arith.constant 0 : index
    %get3A_17 = arith.constant 0 : index
    %get3A_18 = vector.load %arg2[%get3A_16, %get3A_17] : memref<2048x32xf32, #tpu.memory_space<vmem>>, vector<2048x32xf32>
    %bitcast_convert_type3A_19 = tpu.bitcast %get3A_18 : vector<2048x32xf32> -> vector<2048x32xi32>
    %broadcast_in_dim3A_20 = arith.constant 16 : i32
    %broadcast_in_dim3A_21 = vector.broadcast %broadcast_in_dim3A_20 : i32 to vector<2048x32xi32>
    %shift_left3A_22 = arith.shli %bitcast_convert_type3A_19, %broadcast_in_dim3A_21 : vector<2048x32xi32>
    %bitcast_convert_type3A_23 = tpu.bitcast %shift_left3A_22 : vector<2048x32xi32> -> vector<2048x32xf32>
    %broadcast_in_dim3A_24 = arith.constant -65536 : i32
    %broadcast_in_dim3A_25 = vector.broadcast %broadcast_in_dim3A_24 : i32 to vector<2048x32xi32>
    %and3A_26 = arith.andi %bitcast_convert_type3A_19, %broadcast_in_dim3A_25 : vector<2048x32xi32>
    %bitcast_convert_type3A_27 = tpu.bitcast %and3A_26 : vector<2048x32xi32> -> vector<2048x32xf32>
    %get3A_28 = arith.constant 0 : index
    %get3A_29 = arith.constant 0 : index
    %get3A_30 = vector.load %arg5[%get3A_28, %get3A_29] : memref<64x32xf32, #tpu.memory_space<vmem>>, vector<64x32xf32>
    %dot_general3A_31 = arith.constant dense<0.000000e+00> : vector<2048x64xf32>
    %dot_general3A_32 = tpu.matmul %bitcast_convert_type3A_23, %get3A_30, %dot_general3A_31 {dimension_numbers = #tpu.dot_dimension_numbers<[1], [1], [0], [0], [0, 0, 1, 0], [], []>, transpose_lhs_hint = false} : vector<2048x32xf32>, vector<64x32xf32>, vector<2048x64xf32> -> vector<2048x64xf32>
    %get3A_33 = arith.constant 0 : index
    %get3A_34 = arith.constant 0 : index
    %get3A_35 = vector.load %arg6[%get3A_33, %get3A_34] : memref<64x32xf32, #tpu.memory_space<vmem>>, vector<64x32xf32>
    %dot_general3A_36 = arith.constant dense<0.000000e+00> : vector<2048x64xf32>
    %dot_general3A_37 = tpu.matmul %bitcast_convert_type3A_27, %get3A_35, %dot_general3A_36 {dimension_numbers = #tpu.dot_dimension_numbers<[1], [1], [0], [0], [0, 0, 1, 0], [], []>, transpose_lhs_hint = false} : vector<2048x32xf32>, vector<64x32xf32>, vector<2048x64xf32> -> vector<2048x64xf32>
    %add3A_38 = arith.addf %dot_general3A_32, %dot_general3A_37 : vector<2048x64xf32>
    %add3A_39 = arith.addf %add3A, %add3A_38 : vector<2048x64xf32>
    %max3A = arith.constant 0.000000e+00 : f32
    %max3A_40 = vector.broadcast %max3A : f32 to vector<2048x64xf32>
    %max3A_41 = arith.maximumf %add3A_39, %max3A_40 : vector<2048x64xf32>
    %get3A_42 = arith.constant 0 : index
    %get3A_43 = arith.constant 0 : index
    %get3A_44 = vector.load %arg7[%get3A_42, %get3A_43] : memref<16x64xf32, #tpu.memory_space<vmem>>, vector<16x64xf32>
    %dot_general3A_45 = arith.constant dense<0.000000e+00> : vector<2048x16xf32>
    %dot_general3A_46 = tpu.matmul %max3A_41, %get3A_44, %dot_general3A_45 {dimension_numbers = #tpu.dot_dimension_numbers<[1], [1], [0], [0], [0, 0, 1, 0], [], []>, transpose_lhs_hint = false} : vector<2048x64xf32>, vector<16x64xf32>, vector<2048x16xf32> -> vector<2048x16xf32>
    %swap3A = arith.constant 0 : index
    %swap3A_47 = arith.constant 0 : index
    %swap3A_48 = vector.load %arg8[%swap3A, %swap3A_47] : memref<2048x16xf32, #tpu.memory_space<vmem>>, vector<2048x16xf32>
    tpu.vector_store %arg8[%swap3A, %swap3A_47], %dot_general3A_46 {strides = array<i32>} : memref<2048x16xf32, #tpu.memory_space<vmem>>, vector<2048x16xf32>,
    return
  }
  func.func @transform_0(%arg0: i32) -> (i32, i32) {
    %c0_i32 = arith.constant 0 : i32
    %c0_i32_0 = arith.constant 0 : i32
    return %arg0, %c0_i32 : i32, i32
  }
  func.func @transform_1(%arg0: i32) -> (i32, i32) {
    %c0_i32 = arith.constant 0 : i32
    %c0_i32_0 = arith.constant 0 : i32
    return %arg0, %c0_i32 : i32, i32
  }
  func.func @transform_2(%arg0: i32) -> (i32, i32) {
    %c0_i32 = arith.constant 0 : i32
    %c0_i32_0 = arith.constant 0 : i32
    %c0_i32_1 = arith.constant 0 : i32
    return %c0_i32, %c0_i32_0 : i32, i32
  }
  func.func @transform_3(%arg0: i32) -> (i32, i32) {
    %c0_i32 = arith.constant 0 : i32
    %c0_i32_0 = arith.constant 0 : i32
    %c0_i32_1 = arith.constant 0 : i32
    return %c0_i32, %c0_i32_0 : i32, i32
  }
  func.func @transform_4(%arg0: i32) -> (i32, i32) {
    %c0_i32 = arith.constant 0 : i32
    %c0_i32_0 = arith.constant 0 : i32
    %c0_i32_1 = arith.constant 0 : i32
    return %c0_i32, %c0_i32_0 : i32, i32
  }
  func.func @transform_5(%arg0: i32) -> (i32, i32) {
    %c0_i32 = arith.constant 0 : i32
    %c0_i32_0 = arith.constant 0 : i32
    %c0_i32_1 = arith.constant 0 : i32
    return %c0_i32, %c0_i32_0 : i32, i32
  }
  func.func @transform_6(%arg0: i32) -> (i32, i32) {
    %c0_i32 = arith.constant 0 : i32
    %c0_i32_0 = arith.constant 0 : i32
    %c0_i32_1 = arith.constant 0 : i32
    return %c0_i32, %c0_i32_0 : i32, i32
  }
  func.func @transform_7(%arg0: i32) -> (i32, i32) {
    %c0_i32 = arith.constant 0 : i32
    %c0_i32_0 = arith.constant 0 : i32
    return %arg0, %c0_i32 : i32, i32
  }
}

</mosaic_0001>

<sc_bundles>
// kernel: kernel.6.cloned.1.call-start
scs
__scs_entry_jumppad:
0x0: {  	(pc) =	sbr.rel $0x88, $3  }
0x1: {  	(tag) =	ssettag $0x0;
	lr =	simm.s32 $0x1  }
0x2: {  	[smem:$0x3F9B] =	sst lr;
	_ =	strace $0xD0000000  }
0x3: {  	_ = 	snop  }
0x4: {  	_ = 	snop  }
0x5: {  	_ = 	snop  }
0x6: {  	_ = 	snop  }
0x7: {  	_ = 	snop  }
__scs_overlays_trampoline_lowered:
0x8: {  	[smem:$0x3FAA] =	sst s0  }
0x9: {  	[smem:$0x3FAB] =	sst s1  }
0xa: {  	[smem:$0x3FAC] =	sst s2  }
0xb: {  	[smem:$0x3FAD] =	sst s3  }
0xc: {  	[smem:$0x3FAE] =	sst s4  }
0xd: {  	[smem:$0x3FAF] =	sst s5  }
0xe: {  	[smem:$0x3FB0] =	sst s6  }
0xf: {  	[smem:$0x3FB1] =	sst s7  }
0x10: {  	[smem:$0x3FB2] =	sst s8  }
0x11: {  	[smem:$0x3FB3] =	sst s9;
	s0 =	simm.s32 @!p0 $0x0  }
0x12: {  	s1 =	sld [smem:$0x3F99];
	s0 =	simm.s32 @p0 $0x1  }
0x13: {  	[smem:$0x3FB4] =	sst s0;
	s0 =	simm.s32 @!p1 $0x0  }
0x14: {  	s2 =	sld [smem:$0x3F98];
	s0 =	simm.s32 @p1 $0x1  }
0x15: {  	[smem:$0x3FB5] =	sst s0;
	s0 =	simm.s32 @!p2 $0x0  }
0x16: {  	s3 =	sld [smem:$0x3FDB];
	s0 =	simm.s32 @p2 $0x1  }
0x17: {  	s4 =	simm.s32 $0x1BF5;
	[smem:$0x3FB7] =	sst s0  }
0x18: {  	s0 =	sld [smem:$0x3F9A];
	_ =	swait.ge [sflag:s4], $0x0  }
0x19: {  	s7 =	sld [smem:$0x3F9B]  }
0x1a: {  	s8 =	sadd.s32 $0xFFFFE003, lr  }
0x1b: {  	s9 =	sadd.s32 $0xFFFFFEF7, lr;
	s5 =	simm.s32 $0xFFFFFFFF;
	p2 =	slt.u32 s8, $0xFFFFF086  }
0x1c: {  	p1 =	slt.u32 s9, $0xF7A;
	s5 =	simm.s32 @!p2 $0x0  }
0x1d: {  	s5 =	simm.s32 @p1 $0x1;
	p0 =	seq.s32 s7, s2  }
0x1e: {  	s7 =	smul.u32 @!p0 $0xF7A, s2;
	p2 =	seq.s32 @!p0 s5, $0x0  }
0x1f: {  	s9 =	smul.u32 $0xF7A, s1;
	s8 =	simm.s32 @!p0 $0x1BF5;
	p2 =	por !p2, p0  }
0x20: {  	[sflag:s8] =	ssyncset.s32 @!p0 $0xFFFFF086;
	s6 =	sadd.s32 @!p0 s3, s7;
	s7 =	simm.s32 @!p0 $0x108  }
0x21: {  	s3 =	sadd.s32 s3, s9;
	s6 =	sadd.s32 @!p0 $0x88, s6;
	s7 =	simm.s32 @p2 $0x1082  }
0x22: {  	[simem:s7], [sflag:s8] =	dma.local @!p0 [hbm:s6], $0xF7A  }
0x23: {  	s9 =	sor.u32 $0xD0000000, s2;
	s6 =	simm.s32 $0x108;
	_ =	swait.ge @!p0 [sflag:s8], $0x0  }
0x24: {  	s3 =	sadd.s32 $0x88, s3;
	s6 =	simm.s32 @!p1 $0x1082;
	[sflag:s4] =	ssyncset.s32 $0xFFFFF086  }
0x25: {  	[simem:s6], [sflag:s4] =	dma.local [hbm:s3], $0xF7A  }
0x26: {  	[smem:$0x3F9B] =	sst s1;
	(tag) =	ssettag s2;
	_ =	strace s9  }
0x27: {  	s1 =	sld [smem:$0x3FAB]  }
0x28: {  	s2 =	sld [smem:$0x3FAC]  }
0x29: {  	s4 =	sld [smem:$0x3FAE]  }
0x2a: {  	p0 =	seq.s32 s5, $0x0;
	s5 =	sld [smem:$0x3FAF]  }
0x2b: {  	s6 =	sld [smem:$0x3FB0]  }
0x2c: {  	s7 =	sld [smem:$0x3FB1]  }
0x2d: {  	s3 =	simm.s32 $0x108;
	s8 =	sld [smem:$0x3FB2]  }
0x2e: {  	s3 =	simm.s32 @!p0 $0x1082;
	s9 =	sld [smem:$0x3FB3]  }
0x2f: {  	lr =	sadd.s32 s0, s3;
	s0 =	sld [smem:$0x3FAA]  }
0x30: {  	s3 =	sld [smem:$0x3FAD]  }
0x31: {  	[smem:$0x3FB6] =	sst s10  }
0x32: {  	s10 =	sld [smem:$0x3FB4];
	_ =	sdelay $0x3  }
0x33: {  	p0 =	seq.s32 s10, $0x1;
	s10 =	sld [smem:$0x3FB6];
	_ =	sdelay $0x3  }
0x34: {  	[smem:$0x3FB6] =	sst s10  }
0x35: {  	s10 =	sld [smem:$0x3FB5];
	_ =	sdelay $0x3  }
0x36: {  	p1 =	seq.s32 s10, $0x1;
	s10 =	sld [smem:$0x3FB6];
	_ =	sdelay $0x3  }
0x37: {  	[smem:$0x3FB6] =	sst s10  }
0x38: {  	s10 =	sld [smem:$0x3FB7]  }
0x39: {  	_ = 	snop;
	(pc) =	sbr.ind lr, $3  }
0x3a: {  	_ = 	snop  }
0x3b: {  	_ = 	snop  }
0x3c: {  	p2 =	seq.s32 s10, $0x1;
	s10 =	sld [smem:$0x3FB6]  }
0x3d: {  	_ =	shalt  }
0x3e: {  	_ =	shalt  }
0x3f: {  	_ =	shalt  }
0x40: {  	_ =	shalt  }
0x41: {  	_ =	shalt  }
0x42: {  	_ =	shalt  }
0x43: {  	_ =	shalt  }
0x44: {  	_ =	shalt  }
0x45: {  	_ =	shalt  }
0x46: {  	_ =	shalt  }
0x47: {  	_ =	shalt  }
0x48: {  	_ =	shalt  }
0x49: {  	_ =	shalt  }
0x4a: {  	_ =	shalt  }
0x4b: {  	_ =	shalt  }
0x4c: {  	_ =	shalt  }
0x4d: {  	_ =	shalt  }
0x4e: {  	_ =	shalt  }
0x4f: {  	_ =	shalt  }
0x50: {  	_ =	shalt  }
0x51: {  	_ =	shalt  }
0x52: {  	_ =	shalt  }
0x53: {  	_ =	shalt  }
0x54: {  	_ =	shalt  }
0x55: {  	_ =	shalt  }
0x56: {  	_ =	shalt  }
0x57: {  	_ =	shalt  }
0x58: {  	_ =	shalt  }
0x59: {  	_ =	shalt  }
0x5a: {  	_ =	shalt  }
0x5b: {  	_ =	shalt  }
0x5c: {  	_ =	shalt  }
0x5d: {  	_ =	shalt  }
0x5e: {  	_ =	shalt  }
0x5f: {  	_ =	shalt  }
0x60: {  	_ =	shalt  }
0x61: {  	_ =	shalt  }
0x62: {  	_ =	shalt  }
0x63: {  	_ =	shalt  }
0x64: {  	_ =	shalt  }
0x65: {  	_ =	shalt  }
0x66: {  	_ =	shalt  }
0x67: {  	_ =	shalt  }
0x68: {  	_ =	shalt  }
0x69: {  	_ =	shalt  }
0x6a: {  	_ =	shalt  }
0x6b: {  	_ =	shalt  }
0x6c: {  	_ =	shalt  }
0x6d: {  	_ =	shalt  }
0x6e: {  	_ =	shalt  }
0x6f: {  	_ =	shalt  }
0x70: {  	_ =	shalt  }
0x71: {  	_ =	shalt  }
0x72: {  	_ =	shalt  }
0x73: {  	_ =	shalt  }
0x74: {  	_ =	shalt  }
0x75: {  	_ =	shalt  }
0x76: {  	_ =	shalt  }
0x77: {  	_ =	shalt  }
0x78: {  	_ =	shalt  }
0x79: {  	_ =	shalt  }
0x7a: {  	_ =	shalt  }
0x7b: {  	_ =	shalt  }
0x7c: {  	_ =	shalt  }
0x7d: {  	_ =	shalt  }
0x7e: {  	_ =	shalt  }
0x7f: {  	_ =	shalt  }
0x80: {  	_ =	shalt  }
0x81: {  	_ =	shalt  }
0x82: {  	_ =	shalt  }
0x83: {  	_ =	shalt  }
0x84: {  	_ =	shalt  }
0x85: {  	_ =	shalt  }
0x86: {  	_ =	shalt  }
0x87: {  	_ =	shalt  }
.Lfunc_end0:
.L_simem_size_0:
called_computation_lowered:
.L_overlay_start_0:
0x88: {  	s2 =	sld [smem:$0x3FD9]  }
0x89: {  	s3 =	sld [smem:$0x3FFE];
	_ =	sdelay $0x1  }
0x8a: {  	s1 =	srdreg.scid  }
0x8b: {  	s0 =	sand.u32 $0x1, s1  }
0x8c: {  	s17 =	sshll.u32 s0, $0xA;
	s2 =	sadd.s32 s3, s2  }
0x8d: {  	s2 =	sadd.s32 s2, s17  }
0x8e: {  	[smem:$0x3FC2] =	sst s2  }
0x8f: {  	_ = 	snop  }
0x90: {  	s2 =	sld [smem:$0x3FD0];
	(tm) =	ssettm $0x1  }
0x91: {  	s18 =	sld [smem:$0x3FFB];
	_ =	sdelay $0x3  }
0x92: {  	_ =	strace s18  }
0x93: {  	s3 =	sld [smem:$0x3FFC];
	_ =	sdelay $0x3  }
0x94: {  	_ =	strace s3  }
0x95: {  	s3 =	sld [smem:$0x3FFD];
	_ =	sdelay $0x3  }
0x96: {  	_ =	strace s3  }
0x97: {  	_ =	strace $0x8FFFFFFF  }
0x98: {  	s19 =	sld [smem:$0x3FDB];
	_ =	sdelay $0x1  }
0x99: {  	s4 =	simm.s32 $_scs_section_size  }
0x9a: {  	s5 =	simm.s32 $_size__tile_overlayer_lowered;
	s6 =	simm.s32 $_tile_overlayer_lowered  }
0x9b: {  	s22 =	simm.s32 $0x1BFF;
	s21 =	sshll.u32 s6, $0x1;
	s3 =	sadd.s32 s4, s19  }
0x9c: {  	s7 =	simm.s32 $0x0;
	s20 =	sshll.u32 s5, $0x1;
	s5 =	sadd.s32 s21, s3  }
0x9d: {  	[timem:s7], [sflag:s22] =	dma.local [hbm:s5], s20  }
0x9e: {  	_ =	swait.ge [sflag:s22], s20  }
0x9f: {  	s4 =	ssub.s32 $0x0, s20;
	[sflag:s22] =	ssyncset.done $0x0  }
0xa0: {  	[sflag:s22] =	ssyncadd.s32 s4;
	_ =	sdelay $0x1  }
0xa1: {  	s23 =	simm.s32 $0x1B8B  }
0xa2: {  	_ =	swait.ge [sflag:s23], $0x1  }
0xa3: {  	[sflag:s23] =	ssyncset.done $0x0  }
0xa4: {  	s25 =	simm.s32 $0x1B8E;
	s24 =	sld [smem:$0x3FFE];
	[sflag:s23] =	ssyncadd.s32 $0xFFFFFFFF  }
0xa5: {  	s26 =	simm.s32 $execute0_lowered;
	[smem:$0x3FD2] =	sst s25  }
0xa6: {  	s5 =	sshll.u32 s26, $0x1;
	_ =	strace $0x80000046;
	[dreg:$0x1] =	wrdreg $0xFFFFFFFF  }
0xa7: {  	s28 =	simm.s32 $_size_execute0_lowered;
	s3 =	sadd.s32 s3, s5;
	[dreg:$0x0] =	wrdreg $0x0  }
0xa8: {  	s5 =	sshll.u32 s28, $0x1;
	[dreg:$0x2] =	wrdreg s3  }
0xa9: {  	[dreg:$0x3] =	wrdreg s5  }
0xaa: {  	[dreg:$0x4] =	wrdreg $0xC0  }
0xab: {  	_ =	task [dreg:s7], $0x5FFFF  }
0xac: {  	[dreg:$0x1] =	wrdreg $0xFFFFFFFF  }
0xad: {  	[dreg:$0x0] =	wrdreg $0x60  }
0xae: {  	[dreg:$0x2] =	wrdreg s24  }
0xaf: {  	[dreg:$0x3] =	wrdreg s2  }
0xb0: {  	[dreg:$0x4] =	wrdreg $0x9  }
0xb1: {  	_ =	task.clear_ibuf [dreg:s7], $0x5FFFF;
	_ =	strace $0x90000046  }
0xb2: {  	s29 =	simm.s32 $0x9;
	_ =	strace $0x80000048  }
0xb3: {  	_ =	swait.ge [sflag:s29], $0x1  }
0xb4: {  	[sflag:s29] =	ssyncadd.s32 $0xFFFFFFFF  }
0xb5: {  	_ =	strace $0x90000048  }
0xb6: {  	_ =	sfence  }
0xb7: {  	s30 =	sld [smem:$0x0];
	_ =	sdelay $0x2  }
0xb8: {  	s31 =	sshll.u32 s1, $0xD;
	s1 =	sshrl.u32 s1, $0x2  }
0xb9: {  	s3 =	sand.u32 $0x4000, s31;
	s1 =	sadd.s32 s1, s30  }
0xba: {  	s0 =	sor.u32 s3, s0;
	s1 =	sshll.u32 s1, $0x11  }
0xbb: {  	s0 =	sor.u32 s1, s0  }
0xbc: {  	s0 =	sadd.s32 $0x8F2B, s0  }
0xbd: {  	[sflag:s0] =	ssyncadd.remote.s32 $0x1  }
0xbe: {  	_ =	sfence.sel $0xFFFF  }
0xbf: {  	[dreg:$0x0] =	wrdreg $0xFFFFFFFF;
	(pc) =	sbr.abs _section_cstart, $3  }
0xc0: {  	[dreg:$0x1] =	wrdreg $0xFFFFFFFF  }
0xc1: {  	_ =	task.clear_ibuf [dreg:s7], $0x2FFFF;
	_ =	strace $0x9FFFFFFF  }
0xc2: {  	(tm) =	ssettm $0x7FFFFFFF  }
0xc3: {  	_ =	shalt  }
tec
execute0_lowered:
.L_overlay_start_1:
0x0: {  	(tag) =	ssettag $0x1  }
0x1: {  	s1 =	rddreg [dreg:$0x0]  }
0x2: {  	s2 =	rddreg [dreg:$0x1];
	s3 =	simm.s32 $0x0  }
0x3: {  	s0 =	srdreg.scid;
	s12 =	stileid.u32;
	s14 =	simm.s32 $0x3  }
0x4: {  	s15 =	simm.s32 $0xA0;
	s16 =	simm.s32 $0x140;
	s17 =	simm.s32 $0x1E0  }
0x5: {  	s18 =	simm.s32 $0x280;
	s19 =	simm.s32 $0x6720;
	s20 =	simm.s32 $0x320  }
0x6: {  	s21 =	simm.s32 $0x1720;
	s22 =	simm.s32 $0x2B20;
	s23 =	simm.s32 $0x3F20  }
0x7: {  	s24 =	simm.s32 $0x5320;
	s25 =	simm.s32 $0x1;
	s26 =	simm.s32 $0x7B20  }
0x8: {  	s28 =	simm.s32 $0x2;
	[smem:$0x7FF] =	sst s3;
	s4 =	sand.u32 $0x1, s0  }
.Ltmp0:
0x9: {  	s5 =	sadd.s32 $0x30D400, s1;
	s0 =	ssub.s32 $0x2, s4;
	(pc) =	sbr.rel .LBB2_1-.Ltmp0, $4  }
0xa: {  	s6 =	sadd.s32 $0x6B200, s1;
	s8 =	sadd.s32 $0x68000, s1;
	s7 =	sshrl.u32 s0, $0x1  }
0xb: {  	s9 =	sadd.s32 $0x64E00, s1;
	s10 =	sadd.s32 $0x61C00, s1;
	s0 =	ssub.s32 s0, s7  }
0xc: {  	s11 =	sadd.s32 $0x6E400, s1;
	s12 =	sshll.u32 s12, $0x1;
	s0 =	smax.u32 s0, $0x1  }
0xd: {  	_ =	strace $0x80000047;
	s7 =	simm.s32 $0x0;
	[dreg:$0x3] =	wrdreg s0  }
.LBB2_7:
0xe: {  	s7 =	rddreg [dreg:$0x4]  }
0xf: {  	s0 =	rddreg [dreg:$0x3];
	s7 =	sadd.s32 $0x1, s7  }
0x10: {  	p0 =	sne.s32 s7, s0  }
.Ltmp1:
0x11: {  	_ = 	snop;
	(pc) =	sbr.rel @!p0 .LBB2_8-.Ltmp1, $1  }
0x12: {  	_ =	sdelay $0x3  }
.LBB2_1:
.Ltmp2:
0x13: {  	(pc) =	sbr.rel .LBB2_2-.Ltmp2, $2  }
0x14: {  	_ =	sdelay $0x2  }
0x15: {  	[dreg:$0x4] =	wrdreg s7;
	s30 =	simm.s32 $0x0  }
.LBB2_6:
0x16: {  	s30 =	sadd.s32 $0x1, s30  }
0x17: {  	p0 =	sne.s32 s30, $0x14  }
.Ltmp3:
0x18: {  	_ = 	snop;
	(pc) =	sbr.rel @!p0 .LBB2_7-.Ltmp3, $1  }
0x19: {  	_ =	sdelay $0x3  }
.LBB2_2:
0x1a: {  	s0 =	sshll.u32 s30, $0x5  }
0x1b: {  	s0 =	sor.u32 s0, s12  }
0x1c: {  	s0 =	sor.u32 s4, s0  }
0x1d: {  	p0 =	sgt.u32 s0, $0x270  }
.Ltmp4:
0x1e: {  	_ = 	snop;
	(pc) =	sbr.rel @p0 .LBB2_6-.Ltmp4, $1  }
0x1f: {  	_ =	sdelay $0x3  }
0x20: {  	s7 =	smul.u32 $0x14, s0;
	_ =	sdelay $0x1  }
0x21: {  	s29 =	simm.s32 $0x0;
	s13 =	sadd.s32 s6, s7  }
0x22: {  	[tilespmem:s29], [sflag:$0x3] =	stream.linear.gather [hbm4b:s13+s29], $0xA0, $0x38;
	[tilespmem:$0x8F20] =	vst v63  }
0x23: {  	_ =	swait.ge [sflag:s14], $0xA0  }
0x24: {  	[sflag:s14] =	ssyncset.done $0x0  }
0x25: {  	s13 =	sadd.s32 s8, s7;
	[sflag:s14] =	ssyncadd.s32 $0xFFFFFF60  }
0x26: {  	[tilespmem:s15], [sflag:$0x3] =	stream.linear.gather [hbm4b:s13+s29], $0xA0, $0x38;
	[tilespmem:$0x8F20] =	vst v63  }
0x27: {  	_ =	swait.ge [sflag:s14], $0xA0  }
0x28: {  	[sflag:s14] =	ssyncset.done $0x0  }
0x29: {  	s13 =	sadd.s32 s9, s7;
	[sflag:s14] =	ssyncadd.s32 $0xFFFFFF60  }
0x2a: {  	[tilespmem:s16], [sflag:$0x3] =	stream.linear.gather [hbm4b:s13+s29], $0xA0, $0x38;
	[tilespmem:$0x8F20] =	vst v63  }
0x2b: {  	_ =	swait.ge [sflag:s14], $0xA0  }
0x2c: {  	[sflag:s14] =	ssyncset.done $0x0  }
0x2d: {  	s13 =	sadd.s32 s10, s7;
	[sflag:s14] =	ssyncadd.s32 $0xFFFFFF60  }
0x2e: {  	[tilespmem:s17], [sflag:$0x3] =	stream.linear.gather [hbm4b:s13+s29], $0xA0, $0x38;
	[tilespmem:$0x8F20] =	vst v63  }
0x2f: {  	_ =	swait.ge [sflag:s14], $0xA0  }
0x30: {  	[sflag:s14] =	ssyncset.done $0x0  }
0x31: {  	s7 =	sadd.s32 s2, s7;
	[sflag:s14] =	ssyncadd.s32 $0xFFFFFF60  }
0x32: {  	[tilespmem:s18], [sflag:$0x3] =	stream.linear.gather [hbm4b:s7+s29], $0xA0, $0x38;
	[tilespmem:$0x8F20] =	vst v63  }
0x33: {  	s31 =	smul.u32 $0x280, s0;
	_ =	swait.ge [sflag:s14], $0xA0  }
0x34: {  	[sflag:s14] =	ssyncset.done $0x0  }
0x35: {  	s0 =	sadd.s32 s5, s31;
	[sflag:s14] =	ssyncadd.s32 $0xFFFFFF60  }
0x36: {  	[tilespmem:s19], [sflag:$0x3] =	stream.linear.gather [hbm4b:s0+s29], $0x1400, $0x38;
	[tilespmem:$0x8F20] =	vst v63  }
0x37: {  	_ =	swait.ge [sflag:s14], $0x1400  }
0x38: {  	[sflag:s14] =	ssyncset.done $0x0  }
0x39: {  	[sflag:s14] =	ssyncadd.s32 $0xFFFFEC00  }
0x3a: {  	[tilespmem:s20], [sflag:$0x1] =	stream.indirect.gather [hbm4b:s1+s15], $0x20, s29, s15, $0xb8;
	[tilespmem:$0x8F20] =	vst v63  }
0x3b: {  	_ = 	snop  }
0x3c: {  	[tilespmem:s21], [sflag:$0x1] =	stream.indirect.gather [hbm4b:s1+s15], $0x20, s15, s15, $0xb8;
	[tilespmem:$0x8F20] =	vst v63  }
0x3d: {  	_ = 	snop  }
0x3e: {  	[tilespmem:s22], [sflag:$0x1] =	stream.indirect.gather [hbm4b:s1+s15], $0x20, s16, s15, $0xb8;
	[tilespmem:$0x8F20] =	vst v63  }
0x3f: {  	_ = 	snop  }
0x40: {  	[tilespmem:s23], [sflag:$0x1] =	stream.indirect.gather [hbm4b:s1+s15], $0x20, s17, s15, $0xb8;
	[tilespmem:$0x8F20] =	vst v63  }
0x41: {  	_ = 	snop  }
0x42: {  	[tilespmem:s24], [sflag:$0x1] =	stream.indirect.gather [hbm4b:s1+s15], $0x20, s18, s15, $0xb8;
	[tilespmem:$0x8F20] =	vst v63  }
0x43: {  	_ =	swait.ge [sflag:s25], $0x1400  }
0x44: {  	[sflag:s25] =	ssyncset.done $0x0  }
0x45: {  	[sflag:s25] =	ssyncadd.s32 $0xFFFFEC00  }
0x46: {  	_ =	swait.ge [sflag:s25], $0x1400  }
0x47: {  	[sflag:s25] =	ssyncset.done $0x0  }
0x48: {  	[sflag:s25] =	ssyncadd.s32 $0xFFFFEC00  }
0x49: {  	_ =	swait.ge [sflag:s25], $0x1400  }
0x4a: {  	[sflag:s25] =	ssyncset.done $0x0  }
0x4b: {  	[sflag:s25] =	ssyncadd.s32 $0xFFFFEC00  }
0x4c: {  	_ =	swait.ge [sflag:s25], $0x1400  }
0x4d: {  	[sflag:s25] =	ssyncset.done $0x0  }
0x4e: {  	[sflag:s25] =	ssyncadd.s32 $0xFFFFEC00  }
0x4f: {  	_ =	swait.ge [sflag:s25], $0x1400  }
0x50: {  	[sflag:s25] =	ssyncset.done $0x0  }
0x51: {  	s7 =	simm.s32 $0x0;
	[sflag:s25] =	ssyncadd.s32 $0xFFFFEC00  }
0x52: {  	v0 =	vld [tilespmem:s7+$0x330]  }
0x53: {  	v1 =	vld [tilespmem:s7+$0x1730];
	_ =	sdelay $0x1  }
0x54: {  	v2 =	vld [tilespmem:s7+$0x2B30]  }
0x55: {  	v3 =	vld [tilespmem:s7+$0x320]  }
0x56: {  	v5 =	vld [tilespmem:s7+$0x3F30];
	v4 =	vshll.u32 v0, $0x10  }
0x57: {  	v6 =	vld [tilespmem:s7+$0x1720];
	v0 =	vand.u32 $0xFFFF0000, v0;
	v7 =	vshll.u32 v1, $0x10;
	v1 =	vand.u32 $0xFFFF0000, v1  }
0x58: {  	v4 =	vadd.f32 v7, v4;
	v0 =	vadd.f32 v1, v0;
	v1 =	vld [tilespmem:s7+$0x5330]  }
0x59: {  	v7 =	vshll.u32 v2, $0x10;
	v2 =	vand.u32 $0xFFFF0000, v2  }
0x5a: {  	v8 =	vld [tilespmem:s7+$0x2B20];
	v9 =	vshll.u32 v3, $0x10;
	v4 =	vadd.f32 v7, v4;
	v0 =	vadd.f32 v2, v0  }
0x5b: {  	v2 =	vand.u32 $0xFFFF0000, v3;
	v3 =	vshll.u32 v5, $0x10;
	v5 =	vand.u32 $0xFFFF0000, v5  }
0x5c: {  	v7 =	vshll.u32 v6, $0x10;
	v3 =	vadd.f32 v3, v4;
	v0 =	vadd.f32 v5, v0;
	v4 =	vld [tilespmem:s7+$0x6730]  }
0x5d: {  	v7 =	vadd.f32 v7, v9;
	v5 =	vld [tilespmem:s7+$0x3F20];
	v9 =	vshll.u32 v1, $0x10;
	v1 =	vand.u32 $0xFFFF0000, v1  }
0x5e: {  	v10 =	vld [tilespmem:s7+$0x5320];
	v6 =	vand.u32 $0xFFFF0000, v6;
	v3 =	vadd.f32 v9, v3;
	v0 =	vadd.f32 v1, v0  }
0x5f: {  	v2 =	vadd.f32 v6, v2;
	v1 =	vshll.u32 v8, $0x10;
	v8 =	vand.u32 $0xFFFF0000, v8  }
0x60: {  	v1 =	vadd.f32 v1, v7;
	v3 =	vmul.f32 $2.000000030e-01, v3;
	v0 =	vmul.f32 $2.000000030e-01, v0  }
0x61: {  	v2 =	vadd.f32 v8, v2;
	v6 =	vshll.u32 v4, $0x10;
	v4 =	vand.u32 $0xFFFF0000, v4  }
0x62: {  	v7 =	vshll.u32 v5, $0x10;
	v3 =	vadd.f32 v6, v3;
	v0 =	vadd.f32 v4, v0  }
0x63: {  	v5 =	vand.u32 $0xFFFF0000, v5;
	v6 =	vshll.u32 v10, $0x10;
	v1 =	vadd.f32 v7, v1  }
0x64: {  	v4 =	vld [tilespmem:s7+$0x6720];
	v2 =	vadd.f32 v5, v2;
	v3 =	vmax.f32 v3, $0.0e+00;
	v0 =	vmax.f32 v0, $0.0e+00  }
0x65: {  	s0 =	simm.s32 $0x20;
	v1 =	vadd.f32 v6, v1;
	v3 =	vadd.s32 $0x8000, v3;
	v0 =	vadd.s32 $0x8000, v0  }
0x66: {  	v5 =	vld [tilespmem:s0+$0x330];
	v6 =	vand.u32 $0xFFFF0000, v10;
	v3 =	vshrl.u32 v3, $0x10;
	v0 =	vand.u32 $0xFFFF0000, v0  }
0x67: {  	v7 =	vld [tilespmem:s0+$0x1730];
	v2 =	vadd.f32 v6, v2;
	v0 =	vor.u32 v0, v3  }
0x68: {  	v1 =	vmul.f32 $2.000000030e-01, v1;
	v3 =	vld [tilespmem:s0+$0x320];
	[tilespmem:s7+$0x7B30] =	vst v0  }
0x69: {  	v6 =	vshll.u32 v4, $0x10;
	v0 =	vmul.f32 $2.000000030e-01, v2;
	v2 =	vld [tilespmem:s0+$0x2B30]  }
0x6a: {  	v1 =	vadd.f32 v6, v1;
	v6 =	vld [tilespmem:s0+$0x1720]  }
0x6b: {  	v4 =	vand.u32 $0xFFFF0000, v4  }
0x6c: {  	v10 =	vshll.u32 v7, $0x10;
	v7 =	vand.u32 $0xFFFF0000, v7;
	v8 =	vld [tilespmem:s0+$0x3F30];
	v0 =	vadd.f32 v4, v0  }
0x6d: {  	v4 =	vshll.u32 v5, $0x10;
	v1 =	vmax.f32 v1, $0.0e+00;
	v5 =	vand.u32 $0xFFFF0000, v5  }
0x6e: {  	v4 =	vadd.f32 v10, v4;
	v5 =	vadd.f32 v7, v5;
	v7 =	vld [tilespmem:s0+$0x5330];
	v11 =	vshll.u32 v3, $0x10  }
0x6f: {  	v9 =	vld [tilespmem:s0+$0x2B20];
	v10 =	vshll.u32 v2, $0x10;
	v2 =	vand.u32 $0xFFFF0000, v2;
	v13 =	vshll.u32 v6, $0x10  }
0x70: {  	v12 =	vld [tilespmem:s0+$0x3F20];
	v4 =	vadd.f32 v10, v4;
	v2 =	vadd.f32 v2, v5;
	v5 =	vand.u32 $0xFFFF0000, v6  }
0x71: {  	v6 =	vshll.u32 v8, $0x10;
	v8 =	vand.u32 $0xFFFF0000, v8;
	v11 =	vadd.f32 v13, v11  }
0x72: {  	v3 =	vand.u32 $0xFFFF0000, v3;
	v4 =	vadd.f32 v6, v4;
	v2 =	vadd.f32 v8, v2;
	v6 =	vld [tilespmem:s0+$0x6730]  }
0x73: {  	v62 =	vshll.u32 v7, $0x10;
	v7 =	vand.u32 $0xFFFF0000, v7;
	v3 =	vadd.f32 v5, v3  }
0x74: {  	v10 =	vshll.u32 v9, $0x10;
	v8 =	vld [tilespmem:s0+$0x5320];
	v4 =	vadd.f32 v62, v4;
	v7 =	vadd.f32 v7, v2  }
0x75: {  	v9 =	vand.u32 $0xFFFF0000, v9;
	v5 =	vadd.f32 v10, v11;
	v10 =	vshll.u32 v12, $0x10  }
0x76: {  	v3 =	vadd.f32 v9, v3;
	v2 =	vld [tilespmem:s0+$0x6720];
	v4 =	vmul.f32 $2.000000030e-01, v4;
	v7 =	vmul.f32 $2.000000030e-01, v7  }
0x77: {  	v5 =	vadd.f32 v10, v5;
	v9 =	vshll.u32 v6, $0x10;
	v6 =	vand.u32 $0xFFFF0000, v6  }
0x78: {  	v11 =	vand.u32 $0xFFFF0000, v12;
	v9 =	vadd.f32 v9, v4;
	v6 =	vadd.f32 v6, v7  }
0x79: {  	v63 =	vshll.u32 v8, $0x10;
	v8 =	vand.u32 $0xFFFF0000, v8;
	v7 =	vadd.f32 v11, v3  }
0x7a: {  	v5 =	vadd.f32 v63, v5;
	v3 =	vmax.f32 v9, $0.0e+00;
	v6 =	vmax.f32 v6, $0.0e+00  }
0x7b: {  	s13 =	simm.s32 $0x40;
	v4 =	vshll.u32 v2, $0x10;
	v9 =	vadd.s32 $0x8000, v3;
	v10 =	vadd.s32 $0x8000, v6  }
0x7c: {  	s29 =	simm.s32 $0x180;
	v3 =	vld [tilespmem:s13+$0x330];
	v6 =	vadd.f32 v8, v7;
	v7 =	vshrl.u32 v9, $0x10;
	v8 =	vand.u32 $0xFFFF0000, v10  }
.LBB2_4:
0x7d: {  	p0 =	sne.s32 s29, $0x4F80;
	v9 =	vld [tilespmem:s13+$0x1730];
	v2 =	vand.u32 $0xFFFF0000, v2;
	v5 =	vmul.f32 $2.000000030e-01, v5;
	v7 =	vor.u32 v8, v7  }
0x7e: {  	v0 =	vmax.f32 v0, $0.0e+00;
	v1 =	vadd.s32 $0x8000, v1;
	v8 =	vld [tilespmem:s13+$0x320];
	v6 =	vmul.f32 $2.000000030e-01, v6;
	[tilespmem:s0+$0x7B30] =	vst v7  }
0x7f: {  	v7 =	vld [tilespmem:s13+$0x2B30];
	v4 =	vadd.f32 v4, v5;
	v5 =	vshrl.u32 v1, $0x10;
	v1 =	vadd.s32 $0x8000, v0  }
0x80: {  	v10 =	vld [tilespmem:s13+$0x1720];
	v0 =	vadd.f32 v2, v6;
	v2 =	vand.u32 $0xFFFF0000, v1  }
0x81: {  	v6 =	vshll.u32 v3, $0x10;
	v11 =	vld [tilespmem:s13+$0x3F30];
	v1 =	vmax.f32 v4, $0.0e+00;
	v2 =	vor.u32 v2, v5  }
0x82: {  	v3 =	vand.u32 $0xFFFF0000, v3;
	v4 =	vld [tilespmem:s13+$0x2B20];
	v5 =	vshll.u32 v9, $0x10;
	v9 =	vand.u32 $0xFFFF0000, v9;
	[tilespmem:s7+$0x7B20] =	vst v2;
	s7 =	smov.u32 s0;
	s0 =	smov.u32 s13  }
0x83: {  	v12 =	vshll.u32 v8, $0x10;
	v2 =	vadd.f32 v5, v6;
	v3 =	vadd.f32 v9, v3;
	v5 =	vld [tilespmem:s0+$0x5330]  }
0x84: {  	v6 =	vand.u32 $0xFFFF0000, v8;
	v8 =	vld [tilespmem:s0+$0x3F20];
	v9 =	vshll.u32 v7, $0x10;
	v7 =	vand.u32 $0xFFFF0000, v7  }
0x85: {  	v13 =	vshll.u32 v10, $0x10;
	v14 =	vld [tilespmem:s0+$0x5320];
	v9 =	vadd.f32 v9, v2;
	v3 =	vadd.f32 v7, v3  }
0x86: {  	v7 =	vand.u32 $0xFFFF0000, v10;
	v2 =	vld [tilespmem:s0+$0x6720];
	v10 =	vshll.u32 v11, $0x10;
	v11 =	vand.u32 $0xFFFF0000, v11  }
0x87: {  	v15 =	vshll.u32 v4, $0x10;
	v9 =	vadd.f32 v10, v9;
	v3 =	vadd.f32 v11, v3;
	v10 =	vld [tilespmem:s0+$0x6730]  }
0x88: {  	v11 =	vadd.f32 v13, v12;
	v12 =	vshll.u32 v5, $0x10;
	v5 =	vand.u32 $0xFFFF0000, v5  }
0x89: {  	v4 =	vand.u32 $0xFFFF0000, v4;
	v9 =	vadd.f32 v12, v9;
	v3 =	vadd.f32 v5, v3  }
0x8a: {  	v5 =	vadd.f32 v7, v6;
	v6 =	vadd.f32 v15, v11;
	v7 =	vshll.u32 v8, $0x10  }
0x8b: {  	v8 =	vand.u32 $0xFFFF0000, v8;
	v9 =	vmul.f32 $2.000000030e-01, v9;
	v3 =	vmul.f32 $2.000000030e-01, v3  }
0x8c: {  	v4 =	vadd.f32 v4, v5;
	v5 =	vshll.u32 v10, $0x10;
	v10 =	vand.u32 $0xFFFF0000, v10  }
.Ltmp5:
0x8d: {  	v11 =	vshll.u32 v14, $0x10;
	v5 =	vadd.f32 v5, v9;
	v3 =	vadd.f32 v10, v3;
	(pc) =	sbr.rel @p0 .LBB2_4-.Ltmp5, $4  }
0x8e: {  	v6 =	vadd.f32 v7, v6;
	v7 =	vadd.f32 v8, v4;
	v8 =	vand.u32 $0xFFFF0000, v14  }
0x8f: {  	v4 =	vshll.u32 v2, $0x10;
	v9 =	vmax.f32 v5, $0.0e+00;
	v3 =	vmax.f32 v3, $0.0e+00  }
0x90: {  	s13 =	sshra.s32 s29, $0x2;
	v5 =	vadd.f32 v11, v6;
	v9 =	vadd.s32 $0x8000, v9;
	v10 =	vadd.s32 $0x8000, v3  }
0x91: {  	s29 =	sadd.s32 $0x80, s29;
	v6 =	vadd.f32 v8, v7;
	v3 =	vld [tilespmem:s13+$0x330];
	v7 =	vshrl.u32 v9, $0x10;
	v8 =	vand.u32 $0xFFFF0000, v10  }
0x92: {  	v9 =	vld [tilespmem:s13+$0x1730];
	v7 =	vor.u32 v8, v7;
	v0 =	vmax.f32 v0, $0.0e+00  }
0x93: {  	v35 =	vld [tilespmem:s13+$0x320];
	v5 =	vmul.f32 $2.000000030e-01, v5;
	v1 =	vadd.s32 $0x8000, v1;
	[tilespmem:s0+$0x7B30] =	vst v7;
	v0 =	vadd.s32 $0x8000, v0  }
0x94: {  	v6 =	vmul.f32 $2.000000030e-01, v6;
	v1 =	vshrl.u32 v1, $0x10;
	v7 =	vld [tilespmem:s13+$0x2B30];
	v0 =	vand.u32 $0xFFFF0000, v0  }
0x95: {  	v2 =	vand.u32 $0xFFFF0000, v2;
	v10 =	vld [tilespmem:s13+$0x1720];
	v4 =	vadd.f32 v4, v5;
	v0 =	vor.u32 v0, v1  }
0x96: {  	v11 =	vld [tilespmem:s13+$0x3F30];
	v2 =	vadd.f32 v2, v6;
	v37 =	vshll.u32 v3, $0x10;
	v39 =	vand.u32 $0xFFFF0000, v3  }
0x97: {  	v4 =	vmax.f32 v4, $0.0e+00;
	v38 =	vshll.u32 v9, $0x10;
	v40 =	vand.u32 $0xFFFF0000, v9  }
0x98: {  	v36 =	vld [tilespmem:s13+$0x2B20];
	[tilespmem:s7+$0x7B20] =	vst v0;
	v43 =	vshll.u32 v35, $0x10;
	v44 =	vand.u32 $0xFFFF0000, v35;
	v4 =	vadd.s32 $0x8000, v4  }
0x99: {  	v41 =	vld [tilespmem:s13+$0x5330];
	v2 =	vmax.f32 v2, $0.0e+00;
	v5 =	vadd.f32 v38, v37;
	v0 =	vadd.f32 v40, v39  }
0x9a: {  	v45 =	vld [tilespmem:s13+$0x3F20];
	v59 =	vshrl.u32 v4, $0x10;
	v42 =	vshll.u32 v7, $0x10;
	v7 =	vand.u32 $0xFFFF0000, v7  }
0x9b: {  	v47 =	vld [tilespmem:s13+$0x6730];
	v46 =	vshll.u32 v11, $0x10;
	v12 =	vshll.u32 v10, $0x10;
	v11 =	vand.u32 $0xFFFF0000, v11  }
0x9c: {  	v10 =	vand.u32 $0xFFFF0000, v10;
	v3 =	vadd.f32 v42, v5;
	v0 =	vadd.f32 v7, v0  }
0x9d: {  	v49 =	vld [tilespmem:s13+$0x5320];
	v13 =	vshll.u32 v36, $0x10;
	v9 =	vadd.f32 v12, v43;
	v5 =	vadd.f32 v10, v44  }
0x9e: {  	v1 =	vand.u32 $0xFFFF0000, v36;
	v3 =	vadd.f32 v46, v3;
	v0 =	vadd.f32 v11, v0  }
0x9f: {  	v48 =	vshll.u32 v41, $0x10;
	v6 =	vand.u32 $0xFFFF0000, v41;
	v50 =	vadd.f32 v13, v9  }
0xa0: {  	v52 =	vshll.u32 v45, $0x10;
	v1 =	vadd.f32 v1, v5;
	v53 =	vshll.u32 v47, $0x10  }
0xa1: {  	v51 =	vld [tilespmem:s13+$0x6720];
	v8 =	vand.u32 $0xFFFF0000, v45;
	v3 =	vadd.f32 v48, v3;
	v0 =	vadd.f32 v6, v0  }
0xa2: {  	v55 =	vshll.u32 v49, $0x10;
	v6 =	vadd.f32 v52, v50;
	v1 =	vadd.f32 v8, v1  }
0xa3: {  	v56 =	vand.u32 $0xFFFF0000, v49;
	v3 =	vmul.f32 $2.000000030e-01, v3;
	v0 =	vmul.f32 $2.000000030e-01, v0  }
0xa4: {  	v54 =	vand.u32 $0xFFFF0000, v47;
	v6 =	vadd.f32 v55, v6;
	v1 =	vadd.f32 v56, v1  }
0xa5: {  	v2 =	vadd.s32 $0x8000, v2;
	v3 =	vadd.f32 v53, v3;
	v0 =	vadd.f32 v54, v0  }
0xa6: {  	v57 =	vshll.u32 v51, $0x10;
	v6 =	vmul.f32 $2.000000030e-01, v6;
	v1 =	vmul.f32 $2.000000030e-01, v1  }
0xa7: {  	v58 =	vand.u32 $0xFFFF0000, v51;
	v3 =	vmax.f32 v3, $0.0e+00;
	v0 =	vmax.f32 v0, $0.0e+00  }
0xa8: {  	v5 =	vadd.f32 v57, v6;
	v1 =	vadd.f32 v58, v1;
	v3 =	vadd.s32 $0x8000, v3  }
0xa9: {  	v2 =	vand.u32 $0xFFFF0000, v2;
	v0 =	vadd.s32 $0x8000, v0;
	v3 =	vshrl.u32 v3, $0x10  }
0xaa: {  	v0 =	vand.u32 $0xFFFF0000, v0;
	v60 =	vmax.f32 v5, $0.0e+00;
	v1 =	vmax.f32 v1, $0.0e+00  }
0xab: {  	v0 =	vor.u32 v0, v3;
	v4 =	vadd.s32 $0x8000, v60;
	v1 =	vadd.s32 $0x8000, v1  }
0xac: {  	v61 =	vor.u32 v2, v59;
	[tilespmem:s13+$0x7B30] =	vst v0;
	v62 =	vshrl.u32 v4, $0x10;
	v1 =	vand.u32 $0xFFFF0000, v1  }
0xad: {  	[tilespmem:s0+$0x7B20] =	vst v61;
	v63 =	vor.u32 v1, v62  }
.Ltmp6:
0xae: {  	s31 =	sadd.s32 s11, s31;
	[tilespmem:s13+$0x7B20] =	vst v63;
	(pc) =	sbr.rel .LBB2_6-.Ltmp6, $4  }
0xaf: {  	[hbm4b:s31+s3] =	stream.linear.scatter [tilespmem:s26], [sflag:$0x2], $0x1400, $0x38;
	[tilespmem:$0x8F20] =	vst v63  }
0xb0: {  	_ =	swait.ge [sflag:s28], $0x1400  }
0xb1: {  	[sflag:s28] =	ssyncset.done $0x0  }
0xb2: {  	[sflag:s28] =	ssyncadd.s32 $0xFFFFEC00  }
.LBB2_8:
0xb3: {  	_ =	sfence.sel $0x180000  }
0xb4: {  	[bflag:$0x0] =	sbarrier.arrive $0xFFFF  }
0xb5: {  	_ =	strace $0x90000047  }
0xb6: {  	s0 =	stileid.u32;
	[bflag:$0x2] =	sbarrier.arrive $0xFFFF  }
0xb7: {  	p0 =	sne.s32 s0, $0x0;
	s0 =	rddreg [dreg:$0x2]  }
0xb8: {  	s0 =	sadd.s32 @!p0 $0x100000, s0  }
0xb9: {  	[sflag:s0] =	ssyncadd.tile.s32 @!p0 $0x1;
	_ =	shalt  }
.Lfunc_end2:
_tile_overlayer_lowered:
.L_overlay_start_2:
0xba: {  	(tag) =	ssettag $0x2  }
0xbb: {  	s0 =	rddreg [dreg:$0x0];
	s2 =	stileid.u32  }
0xbc: {  	s1 =	rddreg [dreg:$0x1];
	p0 =	sne.s32 s2, $0x0  }
0xbd: {  	s3 =	rddreg [dreg:$0x2];
	[bflag:$0x3] =	sbarrier.arrive $0xFFFF;
	s2 =	simm.s32 @!p0 $0x1C02  }
0xbe: {  	[timem:s3], [sflag:s2] =	dma.local @!p0 [hbm:s0], s1  }
0xbf: {  	s0 =	simm.s32 @!p0 $0x2  }
0xc0: {  	_ =	swait.ge @!p0 [sflag:s0], s1  }
0xc1: {  	s1 =	ssub.s32 @!p0 $0x0, s1;
	[sflag:s0] =	ssyncset.done @!p0 $0x0  }
0xc2: {  	[sflag:s0] =	ssyncadd.s32 @!p0 s1  }
0xc3: {  	[bflag:$0x3] =	sbarrier.arrive $0xFFFF  }
0xc4: {  	_ =	shalt  }

// kernel: kernel.9.cloned.1.call-start
scs
__scs_entry_jumppad:
0x0: {  	(pc) =	sbr.rel $0x88, $3  }
0x1: {  	(tag) =	ssettag $0x0;
	lr =	simm.s32 $0x1  }
0x2: {  	[smem:$0x3F9B] =	sst lr;
	_ =	strace $0xD0000000  }
0x3: {  	_ = 	snop  }
0x4: {  	_ = 	snop  }
0x5: {  	_ = 	snop  }
0x6: {  	_ = 	snop  }
0x7: {  	_ = 	snop  }
__scs_overlays_trampoline_lowered:
0x8: {  	[smem:$0x3FAA] =	sst s0  }
0x9: {  	[smem:$0x3FAB] =	sst s1  }
0xa: {  	[smem:$0x3FAC] =	sst s2  }
0xb: {  	[smem:$0x3FAD] =	sst s3  }
0xc: {  	[smem:$0x3FAE] =	sst s4  }
0xd: {  	[smem:$0x3FAF] =	sst s5  }
0xe: {  	[smem:$0x3FB0] =	sst s6  }
0xf: {  	[smem:$0x3FB1] =	sst s7  }
0x10: {  	[smem:$0x3FB2] =	sst s8  }
0x11: {  	[smem:$0x3FB3] =	sst s9;
	s0 =	simm.s32 @!p0 $0x0  }
0x12: {  	s1 =	sld [smem:$0x3F99];
	s0 =	simm.s32 @p0 $0x1  }
0x13: {  	[smem:$0x3FB4] =	sst s0;
	s0 =	simm.s32 @!p1 $0x0  }
0x14: {  	s2 =	sld [smem:$0x3F98];
	s0 =	simm.s32 @p1 $0x1  }
0x15: {  	[smem:$0x3FB5] =	sst s0;
	s0 =	simm.s32 @!p2 $0x0  }
0x16: {  	s3 =	sld [smem:$0x3FDB];
	s0 =	simm.s32 @p2 $0x1  }
0x17: {  	s4 =	simm.s32 $0x1BF5;
	[smem:$0x3FB7] =	sst s0  }
0x18: {  	s0 =	sld [smem:$0x3F9A];
	_ =	swait.ge [sflag:s4], $0x0  }
0x19: {  	s7 =	sld [smem:$0x3F9B]  }
0x1a: {  	s8 =	sadd.s32 $0xFFFFE003, lr  }
0x1b: {  	s9 =	sadd.s32 $0xFFFFFEF7, lr;
	s5 =	simm.s32 $0xFFFFFFFF;
	p2 =	slt.u32 s8, $0xFFFFF086  }
0x1c: {  	p1 =	slt.u32 s9, $0xF7A;
	s5 =	simm.s32 @!p2 $0x0  }
0x1d: {  	s5 =	simm.s32 @p1 $0x1;
	p0 =	seq.s32 s7, s2  }
0x1e: {  	s7 =	smul.u32 @!p0 $0xF7A, s2;
	p2 =	seq.s32 @!p0 s5, $0x0  }
0x1f: {  	s9 =	smul.u32 $0xF7A, s1;
	s8 =	simm.s32 @!p0 $0x1BF5;
	p2 =	por !p2, p0  }
0x20: {  	[sflag:s8] =	ssyncset.s32 @!p0 $0xFFFFF086;
	s6 =	sadd.s32 @!p0 s3, s7;
	s7 =	simm.s32 @!p0 $0x108  }
0x21: {  	s3 =	sadd.s32 s3, s9;
	s6 =	sadd.s32 @!p0 $0x88, s6;
	s7 =	simm.s32 @p2 $0x1082  }
0x22: {  	[simem:s7], [sflag:s8] =	dma.local @!p0 [hbm:s6], $0xF7A  }
0x23: {  	s9 =	sor.u32 $0xD0000000, s2;
	s6 =	simm.s32 $0x108;
	_ =	swait.ge @!p0 [sflag:s8], $0x0  }
0x24: {  	s3 =	sadd.s32 $0x88, s3;
	s6 =	simm.s32 @!p1 $0x1082;
	[sflag:s4] =	ssyncset.s32 $0xFFFFF086  }
0x25: {  	[simem:s6], [sflag:s4] =	dma.local [hbm:s3], $0xF7A  }
0x26: {  	[smem:$0x3F9B] =	sst s1;
	(tag) =	ssettag s2;
	_ =	strace s9  }
0x27: {  	s1 =	sld [smem:$0x3FAB]  }
0x28: {  	s2 =	sld [smem:$0x3FAC]  }
0x29: {  	s4 =	sld [smem:$0x3FAE]  }
0x2a: {  	p0 =	seq.s32 s5, $0x0;
	s5 =	sld [smem:$0x3FAF]  }
0x2b: {  	s6 =	sld [smem:$0x3FB0]  }
0x2c: {  	s7 =	sld [smem:$0x3FB1]  }
0x2d: {  	s3 =	simm.s32 $0x108;
	s8 =	sld [smem:$0x3FB2]  }
0x2e: {  	s3 =	simm.s32 @!p0 $0x1082;
	s9 =	sld [smem:$0x3FB3]  }
0x2f: {  	lr =	sadd.s32 s0, s3;
	s0 =	sld [smem:$0x3FAA]  }
0x30: {  	s3 =	sld [smem:$0x3FAD]  }
0x31: {  	[smem:$0x3FB6] =	sst s10  }
0x32: {  	s10 =	sld [smem:$0x3FB4];
	_ =	sdelay $0x3  }
0x33: {  	p0 =	seq.s32 s10, $0x1;
	s10 =	sld [smem:$0x3FB6];
	_ =	sdelay $0x3  }
0x34: {  	[smem:$0x3FB6] =	sst s10  }
0x35: {  	s10 =	sld [smem:$0x3FB5];
	_ =	sdelay $0x3  }
0x36: {  	p1 =	seq.s32 s10, $0x1;
	s10 =	sld [smem:$0x3FB6];
	_ =	sdelay $0x3  }
0x37: {  	[smem:$0x3FB6] =	sst s10  }
0x38: {  	s10 =	sld [smem:$0x3FB7]  }
0x39: {  	_ = 	snop;
	(pc) =	sbr.ind lr, $3  }
0x3a: {  	_ = 	snop  }
0x3b: {  	_ = 	snop  }
0x3c: {  	p2 =	seq.s32 s10, $0x1;
	s10 =	sld [smem:$0x3FB6]  }
0x3d: {  	_ =	shalt  }
0x3e: {  	_ =	shalt  }
0x3f: {  	_ =	shalt  }
0x40: {  	_ =	shalt  }
0x41: {  	_ =	shalt  }
0x42: {  	_ =	shalt  }
0x43: {  	_ =	shalt  }
0x44: {  	_ =	shalt  }
0x45: {  	_ =	shalt  }
0x46: {  	_ =	shalt  }
0x47: {  	_ =	shalt  }
0x48: {  	_ =	shalt  }
0x49: {  	_ =	shalt  }
0x4a: {  	_ =	shalt  }
0x4b: {  	_ =	shalt  }
0x4c: {  	_ =	shalt  }
0x4d: {  	_ =	shalt  }
0x4e: {  	_ =	shalt  }
0x4f: {  	_ =	shalt  }
0x50: {  	_ =	shalt  }
0x51: {  	_ =	shalt  }
0x52: {  	_ =	shalt  }
0x53: {  	_ =	shalt  }
0x54: {  	_ =	shalt  }
0x55: {  	_ =	shalt  }
0x56: {  	_ =	shalt  }
0x57: {  	_ =	shalt  }
0x58: {  	_ =	shalt  }
0x59: {  	_ =	shalt  }
0x5a: {  	_ =	shalt  }
0x5b: {  	_ =	shalt  }
0x5c: {  	_ =	shalt  }
0x5d: {  	_ =	shalt  }
0x5e: {  	_ =	shalt  }
0x5f: {  	_ =	shalt  }
0x60: {  	_ =	shalt  }
0x61: {  	_ =	shalt  }
0x62: {  	_ =	shalt  }
0x63: {  	_ =	shalt  }
0x64: {  	_ =	shalt  }
0x65: {  	_ =	shalt  }
0x66: {  	_ =	shalt  }
0x67: {  	_ =	shalt  }
0x68: {  	_ =	shalt  }
0x69: {  	_ =	shalt  }
0x6a: {  	_ =	shalt  }
0x6b: {  	_ =	shalt  }
0x6c: {  	_ =	shalt  }
0x6d: {  	_ =	shalt  }
0x6e: {  	_ =	shalt  }
0x6f: {  	_ =	shalt  }
0x70: {  	_ =	shalt  }
0x71: {  	_ =	shalt  }
0x72: {  	_ =	shalt  }
0x73: {  	_ =	shalt  }
0x74: {  	_ =	shalt  }
0x75: {  	_ =	shalt  }
0x76: {  	_ =	shalt  }
0x77: {  	_ =	shalt  }
0x78: {  	_ =	shalt  }
0x79: {  	_ =	shalt  }
0x7a: {  	_ =	shalt  }
0x7b: {  	_ =	shalt  }
0x7c: {  	_ =	shalt  }
0x7d: {  	_ =	shalt  }
0x7e: {  	_ =	shalt  }
0x7f: {  	_ =	shalt  }
0x80: {  	_ =	shalt  }
0x81: {  	_ =	shalt  }
0x82: {  	_ =	shalt  }
0x83: {  	_ =	shalt  }
0x84: {  	_ =	shalt  }
0x85: {  	_ =	shalt  }
0x86: {  	_ =	shalt  }
0x87: {  	_ =	shalt  }
.Lfunc_end0:
.L_simem_size_0:
called_computation.1_lowered:
.L_overlay_start_0:
0x88: {  	s2 =	sld [smem:$0x3FD9]  }
0x89: {  	s3 =	sld [smem:$0x3FFE];
	_ =	sdelay $0x1  }
0x8a: {  	s1 =	srdreg.scid  }
0x8b: {  	s0 =	sand.u32 $0x1, s1  }
0x8c: {  	s17 =	sshll.u32 s0, $0xA;
	s2 =	sadd.s32 s3, s2  }
0x8d: {  	s2 =	sadd.s32 s2, s17  }
0x8e: {  	[smem:$0x3FC2] =	sst s2  }
0x8f: {  	_ = 	snop  }
0x90: {  	s2 =	sld [smem:$0x3FC9]  }
0x91: {  	s18 =	sld [smem:$0x3FD0];
	(tm) =	ssettm $0x1  }
0x92: {  	s4 =	sld [smem:$0x3FFB];
	_ =	sdelay $0x3  }
0x93: {  	_ =	strace s4  }
0x94: {  	s4 =	sld [smem:$0x3FFC];
	_ =	sdelay $0x3  }
0x95: {  	_ =	strace s4  }
0x96: {  	s4 =	sld [smem:$0x3FFD];
	_ =	sdelay $0x3  }
0x97: {  	_ =	strace s4  }
0x98: {  	_ =	strace $0x8FFFFFFF  }
0x99: {  	s19 =	sld [smem:$0x3FDB];
	_ =	sdelay $0x1  }
0x9a: {  	s5 =	simm.s32 $_scs_section_size  }
0x9b: {  	s6 =	simm.s32 $_size__tile_overlayer_lowered;
	s7 =	simm.s32 $_tile_overlayer_lowered  }
0x9c: {  	s22 =	simm.s32 $0x1BFF;
	s21 =	sshll.u32 s7, $0x1;
	s4 =	sadd.s32 s5, s19  }
0x9d: {  	s8 =	simm.s32 $0x0;
	s20 =	sshll.u32 s6, $0x1;
	s6 =	sadd.s32 s21, s4  }
0x9e: {  	[timem:s8], [sflag:s22] =	dma.local [hbm:s6], s20  }
0x9f: {  	_ =	swait.ge [sflag:s22], s20  }
0xa0: {  	s5 =	ssub.s32 $0x0, s20;
	[sflag:s22] =	ssyncset.done $0x0  }
0xa1: {  	[sflag:s22] =	ssyncadd.s32 s5;
	_ =	sdelay $0x1  }
0xa2: {  	s23 =	simm.s32 $0x1B8B  }
0xa3: {  	_ =	swait.ge [sflag:s23], $0x1  }
0xa4: {  	[sflag:s23] =	ssyncset.done $0x0  }
0xa5: {  	s25 =	simm.s32 $0x1B8E;
	s24 =	sld [smem:$0x3FFE];
	[sflag:s23] =	ssyncadd.s32 $0xFFFFFFFF  }
0xa6: {  	s26 =	simm.s32 $execute0_lowered;
	[smem:$0x3FD2] =	sst s25  }
0xa7: {  	s6 =	sshll.u32 s26, $0x1;
	_ =	strace $0x80000049;
	[dreg:$0x1] =	wrdreg $0xFFFFFFFF  }
0xa8: {  	s28 =	simm.s32 $_size_execute0_lowered;
	s4 =	sadd.s32 s4, s6;
	[dreg:$0x0] =	wrdreg $0x0  }
0xa9: {  	s6 =	sshll.u32 s28, $0x1;
	[dreg:$0x2] =	wrdreg s4  }
0xaa: {  	[dreg:$0x3] =	wrdreg s6  }
0xab: {  	[dreg:$0x4] =	wrdreg $0xC0  }
0xac: {  	_ =	task [dreg:s8], $0x5FFFF  }
0xad: {  	[dreg:$0x1] =	wrdreg $0xFFFFFFFF  }
0xae: {  	[dreg:$0x0] =	wrdreg $0x60  }
0xaf: {  	[dreg:$0x2] =	wrdreg s2  }
0xb0: {  	[dreg:$0x3] =	wrdreg s24  }
0xb1: {  	[dreg:$0x4] =	wrdreg s18  }
0xb2: {  	[dreg:$0x5] =	wrdreg $0x9  }
0xb3: {  	_ =	task.clear_ibuf [dreg:s8], $0x6FFFF;
	_ =	strace $0x90000049  }
0xb4: {  	s29 =	simm.s32 $0x9;
	_ =	strace $0x8000004B  }
0xb5: {  	_ =	swait.ge [sflag:s29], $0x1  }
0xb6: {  	[sflag:s29] =	ssyncadd.s32 $0xFFFFFFFF  }
0xb7: {  	_ =	strace $0x9000004B  }
0xb8: {  	_ =	sfence  }
0xb9: {  	s30 =	sld [smem:$0x0];
	_ =	sdelay $0x2  }
0xba: {  	s31 =	sshll.u32 s1, $0xD;
	s1 =	sshrl.u32 s1, $0x2  }
0xbb: {  	s3 =	sand.u32 $0x4000, s31;
	s1 =	sadd.s32 s1, s30  }
0xbc: {  	s0 =	sor.u32 s3, s0;
	s1 =	sshll.u32 s1, $0x11  }
0xbd: {  	s0 =	sor.u32 s1, s0  }
0xbe: {  	s0 =	sadd.s32 $0x8F2B, s0  }
0xbf: {  	[sflag:s0] =	ssyncadd.remote.s32 $0x1  }
0xc0: {  	_ =	sfence.sel $0xFFFF  }
0xc1: {  	[dreg:$0x0] =	wrdreg $0xFFFFFFFF;
	(pc) =	sbr.abs _section_cstart, $3  }
0xc2: {  	[dreg:$0x1] =	wrdreg $0xFFFFFFFF  }
0xc3: {  	_ =	task.clear_ibuf [dreg:s8], $0x2FFFF;
	_ =	strace $0x9FFFFFFF  }
0xc4: {  	(tm) =	ssettm $0x7FFFFFFF  }
0xc5: {  	_ =	shalt  }
tec
execute0_lowered:
.L_overlay_start_1:
0x0: {  	(tag) =	ssettag $0x1  }
0x1: {  	s1 =	rddreg [dreg:$0x0]  }
0x2: {  	s2 =	rddreg [dreg:$0x1]  }
0x3: {  	s3 =	rddreg [dreg:$0x2];
	s4 =	simm.s32 $0x0;
	s0 =	srdreg.scid  }
0x4: {  	s12 =	stileid.u32;
	s14 =	simm.s32 $0x2;
	s15 =	simm.s32 $0x100  }
0x5: {  	s16 =	simm.s32 $0x200;
	s17 =	simm.s32 $0x300;
	s18 =	simm.s32 $0x400  }
0x6: {  	s19 =	simm.s32 $0x500;
	s20 =	simm.s32 $0xA600;
	s21 =	simm.s32 $0x1  }
0x7: {  	s22 =	simm.s32 $0x600;
	s23 =	simm.s32 $0x2600;
	s24 =	simm.s32 $0x4600  }
0x8: {  	s25 =	simm.s32 $0x6600;
	s26 =	simm.s32 $0x8600;
	s28 =	simm.s32 $0xC600  }
0x9: {  	s29 =	simm.s32 $0x0;
	[smem:$0x7FF] =	sst s4;
	s0 =	sand.u32 $0x1, s0  }
0xa: {  	s5 =	sadd.s32 $0x6E400, s2;
	s6 =	sadd.s32 $0x6B200, s2;
	s7 =	ssub.s32 $0x2, s0  }
0xb: {  	s8 =	sadd.s32 $0x68000, s2;
	s9 =	sadd.s32 $0x64E00, s2;
	s11 =	sshrl.u32 s7, $0x1  }
0xc: {  	s10 =	sadd.s32 $0x61C00, s2;
	s12 =	sshll.u32 s12, $0x9;
	s7 =	ssub.s32 s7, s11  }
0xd: {  	_ =	strace $0x8000004A;
	s0 =	sshll.u32 s0, $0x8;
	s31 =	smax.u32 s7, $0x1  }
0xe: {  	s12 =	sor.u32 s0, s12;
	s11 =	sadd.s32 $0x10000, s2;
	[dreg:$0x4] =	wrdreg s31  }
.LBB2_1:
0xf: {  	p1 =	por $0x1, $0x1;
	s0 =	simm.s32 $0x0  }
.LBB2_2:
0x10: {  	s0 =	sor.u32 s12, s0  }
0x11: {  	s7 =	sshrl.u32 s0, $0x3  }
0x12: {  	s13 =	simm.s32 $0x0;
	s7 =	sadd.s32 s1, s7  }
0x13: {  	[tilespmem:s13], [sflag:$0x2] =	stream.linear.gather [hbm4b:s7+s13], $0x100, $0x38;
	[tilespmem:$0xE600] =	vst v63  }
0x14: {  	_ =	swait.ge [sflag:s14], $0x100  }
0x15: {  	[sflag:s14] =	ssyncset.done $0x0  }
0x16: {  	[sflag:s14] =	ssyncadd.s32 $0xFFFFFF00  }
0x17: {  	[tilespmem:s15], [sflag:$0x1] =	stream.indirect.gather [hbm4b:s6+s15], $0x1, s13, s15, $0xb8;
	[tilespmem:$0xE600] =	vst v63  }
0x18: {  	_ = 	snop  }
0x19: {  	[tilespmem:s16], [sflag:$0x1] =	stream.indirect.gather [hbm4b:s8+s15], $0x1, s13, s15, $0xb8;
	[tilespmem:$0xE600] =	vst v63  }
0x1a: {  	_ = 	snop  }
0x1b: {  	[tilespmem:s17], [sflag:$0x1] =	stream.indirect.gather [hbm4b:s9+s15], $0x1, s13, s15, $0xb8;
	[tilespmem:$0xE600] =	vst v63  }
0x1c: {  	_ = 	snop  }
0x1d: {  	[tilespmem:s18], [sflag:$0x1] =	stream.indirect.gather [hbm4b:s10+s15], $0x1, s13, s15, $0xb8;
	[tilespmem:$0xE600] =	vst v63  }
0x1e: {  	_ = 	snop  }
0x1f: {  	[tilespmem:s19], [sflag:$0x1] =	stream.indirect.gather [hbm4b:s3+s15], $0x1, s13, s15, $0xb8;
	[tilespmem:$0xE600] =	vst v63  }
0x20: {  	_ = 	snop  }
0x21: {  	[tilespmem:s20], [sflag:$0x1] =	stream.indirect.gather [hbm4b:s5+s15], $0x20, s13, s15, $0xb8;
	[tilespmem:$0xE600] =	vst v63  }
0x22: {  	_ =	swait.ge [sflag:s21], $0x100  }
0x23: {  	[sflag:s21] =	ssyncset.done $0x0  }
0x24: {  	[sflag:s21] =	ssyncadd.s32 $0xFFFFFF00  }
0x25: {  	_ =	swait.ge [sflag:s21], $0x100  }
0x26: {  	[sflag:s21] =	ssyncset.done $0x0  }
0x27: {  	[sflag:s21] =	ssyncadd.s32 $0xFFFFFF00  }
0x28: {  	_ =	swait.ge [sflag:s21], $0x100  }
0x29: {  	[sflag:s21] =	ssyncset.done $0x0  }
0x2a: {  	[sflag:s21] =	ssyncadd.s32 $0xFFFFFF00  }
0x2b: {  	_ =	swait.ge [sflag:s21], $0x100  }
0x2c: {  	[sflag:s21] =	ssyncset.done $0x0  }
0x2d: {  	[sflag:s21] =	ssyncadd.s32 $0xFFFFFF00  }
0x2e: {  	_ =	swait.ge [sflag:s21], $0x100  }
0x2f: {  	[sflag:s21] =	ssyncset.done $0x0  }
0x30: {  	[sflag:s21] =	ssyncadd.s32 $0xFFFFFF00  }
0x31: {  	_ =	swait.ge [sflag:s21], $0x2000  }
0x32: {  	[sflag:s21] =	ssyncset.done $0x0  }
0x33: {  	[sflag:s21] =	ssyncadd.s32 $0xFFFFE000  }
0x34: {  	[tilespmem:s22], [sflag:$0x1] =	stream.indirect.gather [hbm4b:s5+s15], $0x20, s15, s15, $0xb8;
	[tilespmem:$0xE600] =	vst v63  }
0x35: {  	_ = 	snop  }
0x36: {  	[tilespmem:s23], [sflag:$0x1] =	stream.indirect.gather [hbm4b:s5+s15], $0x20, s16, s15, $0xb8;
	[tilespmem:$0xE600] =	vst v63  }
0x37: {  	_ = 	snop  }
0x38: {  	[tilespmem:s24], [sflag:$0x1] =	stream.indirect.gather [hbm4b:s5+s15], $0x20, s17, s15, $0xb8;
	[tilespmem:$0xE600] =	vst v63  }
0x39: {  	_ = 	snop  }
0x3a: {  	[tilespmem:s25], [sflag:$0x1] =	stream.indirect.gather [hbm4b:s5+s15], $0x20, s18, s15, $0xb8;
	[tilespmem:$0xE600] =	vst v63  }
0x3b: {  	_ = 	snop  }
0x3c: {  	[tilespmem:s26], [sflag:$0x1] =	stream.indirect.gather [hbm4b:s5+s15], $0x20, s19, s15, $0xb8;
	[tilespmem:$0xE600] =	vst v63  }
0x3d: {  	_ =	swait.ge [sflag:s21], $0x2000  }
0x3e: {  	[sflag:s21] =	ssyncset.done $0x0  }
0x3f: {  	[sflag:s21] =	ssyncadd.s32 $0xFFFFE000  }
0x40: {  	_ =	swait.ge [sflag:s21], $0x2000  }
0x41: {  	[sflag:s21] =	ssyncset.done $0x0  }
0x42: {  	[sflag:s21] =	ssyncadd.s32 $0xFFFFE000  }
0x43: {  	_ =	swait.ge [sflag:s21], $0x2000  }
0x44: {  	[sflag:s21] =	ssyncset.done $0x0  }
0x45: {  	[sflag:s21] =	ssyncadd.s32 $0xFFFFE000  }
0x46: {  	_ =	swait.ge [sflag:s21], $0x2000  }
0x47: {  	[sflag:s21] =	ssyncset.done $0x0  }
0x48: {  	[sflag:s21] =	ssyncadd.s32 $0xFFFFE000  }
0x49: {  	_ =	swait.ge [sflag:s21], $0x2000  }
0x4a: {  	s30 =	sshll.u32 s0, $0x2;
	[sflag:s21] =	ssyncset.done $0x0  }
0x4b: {  	s0 =	sadd.s32 s2, s30;
	[sflag:s21] =	ssyncadd.s32 $0xFFFFE000  }
0x4c: {  	[hbm4b:s0+s13] =	stream.linear.scatter [tilespmem:s20], [sflag:$0x2], $0x2000, $0x38;
	[tilespmem:$0xE600] =	vst v63  }
0x4d: {  	_ =	swait.ge [sflag:s14], $0x2000  }
0x4e: {  	[sflag:s14] =	ssyncset.done $0x0  }
0x4f: {  	s0 =	simm.s32 $0x0;
	[sflag:s14] =	ssyncadd.s32 $0xFFFFE000  }
0x50: {  	v0 =	vld [tilespmem:s0+$0x610]  }
0x51: {  	v1 =	vld [tilespmem:s0+$0x2610];
	_ =	sdelay $0x1  }
0x52: {  	v2 =	vld [tilespmem:s0+$0x4610]  }
0x53: {  	v3 =	vld [tilespmem:s0+$0x600]  }
0x54: {  	v5 =	vld [tilespmem:s0+$0x6610];
	v4 =	vshll.u32 v0, $0x10  }
0x55: {  	v6 =	vld [tilespmem:s0+$0x2600];
	v0 =	vand.u32 $0xFFFF0000, v0;
	v7 =	vshll.u32 v1, $0x10;
	v1 =	vand.u32 $0xFFFF0000, v1  }
0x56: {  	v4 =	vadd.f32 v7, v4;
	v0 =	vadd.f32 v1, v0;
	v1 =	vld [tilespmem:s0+$0x8610]  }
0x57: {  	v7 =	vshll.u32 v2, $0x10;
	v2 =	vand.u32 $0xFFFF0000, v2  }
0x58: {  	v8 =	vld [tilespmem:s0+$0x4600];
	v9 =	vshll.u32 v3, $0x10;
	v4 =	vadd.f32 v7, v4;
	v0 =	vadd.f32 v2, v0  }
0x59: {  	v2 =	vand.u32 $0xFFFF0000, v3;
	v3 =	vshll.u32 v5, $0x10;
	v5 =	vand.u32 $0xFFFF0000, v5  }
0x5a: {  	v10 =	vshll.u32 v6, $0x10;
	v7 =	vld [tilespmem:s0+$0x6600];
	v3 =	vadd.f32 v3, v4;
	v0 =	vadd.f32 v5, v0  }
0x5b: {  	v4 =	vadd.f32 v10, v9;
	v5 =	vshll.u32 v1, $0x10;
	v1 =	vand.u32 $0xFFFF0000, v1  }
0x5c: {  	v6 =	vand.u32 $0xFFFF0000, v6;
	v3 =	vadd.f32 v5, v3;
	v0 =	vadd.f32 v1, v0  }
0x5d: {  	v2 =	vadd.f32 v6, v2;
	v1 =	vld [tilespmem:s0+$0x8600];
	v5 =	vshll.u32 v8, $0x10;
	v8 =	vand.u32 $0xFFFF0000, v8  }
0x5e: {  	v4 =	vadd.f32 v5, v4;
	v3 =	vmul.f32 $2.000000030e-01, v3;
	v0 =	vmul.f32 $2.000000030e-01, v0  }
0x5f: {  	s31 =	simm.s32 $0x20;
	v5 =	vshll.u32 v7, $0x10;
	v6 =	vand.u32 $0xFFFF0000, v7;
	v2 =	vadd.f32 v8, v2  }
0x60: {  	v7 =	vld [tilespmem:s31+$0x610];
	v4 =	vadd.f32 v5, v4;
	v3 =	vadd.s32 $0x8000, v3;
	v0 =	vadd.s32 $0x8000, v0  }
0x61: {  	v5 =	vld [tilespmem:s31+$0x2610];
	v2 =	vadd.f32 v6, v2;
	v3 =	vshrl.u32 v3, $0x10;
	v0 =	vand.u32 $0xFFFF0000, v0  }
0x62: {  	v6 =	vld [tilespmem:s31+$0x600];
	v8 =	vshll.u32 v1, $0x10;
	v1 =	vand.u32 $0xFFFF0000, v1;
	v0 =	vor.u32 v0, v3  }
0x63: {  	v3 =	vld [tilespmem:s31+$0x4610];
	v4 =	vadd.f32 v8, v4;
	v1 =	vadd.f32 v1, v2;
	[tilespmem:s0+$0xC610] =	vst v0  }
0x64: {  	v2 =	vld [tilespmem:s31+$0x2600]  }
0x65: {  	v0 =	vmul.f32 $2.000000030e-01, v4;
	v4 =	vshll.u32 v7, $0x10;
	v8 =	vld [tilespmem:s31+$0x6610];
	v1 =	vmul.f32 $2.000000030e-01, v1  }
0x66: {  	v9 =	vld [tilespmem:s31+$0x4600];
	v7 =	vand.u32 $0xFFFF0000, v7;
	v10 =	vshll.u32 v5, $0x10;
	v5 =	vand.u32 $0xFFFF0000, v5  }
0x67: {  	v11 =	vshll.u32 v6, $0x10;
	v4 =	vadd.f32 v10, v4;
	v5 =	vadd.f32 v5, v7;
	v7 =	vld [tilespmem:s31+$0x8610]  }
0x68: {  	v6 =	vand.u32 $0xFFFF0000, v6;
	v10 =	vshll.u32 v3, $0x10;
	v3 =	vand.u32 $0xFFFF0000, v3  }
0x69: {  	v12 =	vld [tilespmem:s31+$0x6600];
	v4 =	vadd.f32 v10, v4;
	v3 =	vadd.f32 v3, v5;
	v13 =	vshll.u32 v2, $0x10  }
0x6a: {  	v2 =	vand.u32 $0xFFFF0000, v2;
	v5 =	vshll.u32 v8, $0x10;
	v8 =	vand.u32 $0xFFFF0000, v8  }
0x6b: {  	v10 =	vld [tilespmem:s31+$0x8600];
	v14 =	vshll.u32 v9, $0x10;
	v4 =	vadd.f32 v5, v4;
	v3 =	vadd.f32 v8, v3  }
0x6c: {  	v5 =	vadd.f32 v13, v11;
	v8 =	vshll.u32 v7, $0x10;
	v7 =	vand.u32 $0xFFFF0000, v7  }
0x6d: {  	v9 =	vand.u32 $0xFFFF0000, v9;
	v4 =	vadd.f32 v8, v4;
	v7 =	vadd.f32 v7, v3  }
0x6e: {  	v2 =	vadd.f32 v2, v6;
	v6 =	vshll.u32 v12, $0x10;
	v5 =	vadd.f32 v14, v5  }
0x6f: {  	v3 =	vand.u32 $0xFFFF0000, v12;
	v8 =	vmul.f32 $2.000000030e-01, v4;
	v11 =	vmul.f32 $2.000000030e-01, v7  }
0x70: {  	s7 =	simm.s32 $0x40;
	v7 =	vadd.f32 v9, v2;
	v4 =	vadd.f32 v6, v5;
	v6 =	vshll.u32 v10, $0x10  }
0x71: {  	p0 =	por p1, p1;
	s13 =	simm.s32 $0x180;
	v2 =	vld [tilespmem:s7+$0x610];
	v5 =	vand.u32 $0xFFFF0000, v10;
	v8 =	vadd.s32 $0x8000, v8;
	v9 =	vadd.s32 $0x8000, v11  }
.LBB2_3:
0x72: {  	p1 =	sne.s32 s13, $0x7F80;
	v10 =	vld [tilespmem:s7+$0x2610];
	v3 =	vadd.f32 v3, v7;
	v7 =	vshrl.u32 v8, $0x10;
	v8 =	vand.u32 $0xFFFF0000, v9  }
0x73: {  	v4 =	vadd.f32 v6, v4;
	v0 =	vadd.s32 $0x8000, v0;
	v9 =	vld [tilespmem:s7+$0x600];
	v6 =	vor.u32 v8, v7  }
0x74: {  	v1 =	vadd.s32 $0x8000, v1;
	v7 =	vld [tilespmem:s7+$0x4610];
	v3 =	vadd.f32 v5, v3;
	[tilespmem:s31+$0xC610] =	vst v6;
	v5 =	vshrl.u32 v0, $0x10  }
0x75: {  	v0 =	vmul.f32 $2.000000030e-01, v4;
	v4 =	vand.u32 $0xFFFF0000, v1;
	v6 =	vld [tilespmem:s7+$0x2600]  }
0x76: {  	v8 =	vshll.u32 v2, $0x10;
	v11 =	vld [tilespmem:s7+$0x6610];
	v1 =	vmul.f32 $2.000000030e-01, v3;
	v3 =	vor.u32 v4, v5  }
0x77: {  	v2 =	vand.u32 $0xFFFF0000, v2;
	v4 =	vld [tilespmem:s7+$0x4600];
	v5 =	vshll.u32 v10, $0x10;
	v10 =	vand.u32 $0xFFFF0000, v10;
	[tilespmem:s0+$0xC600] =	vst v3;
	s0 =	smov.u32 s31;
	s31 =	smov.u32 s7  }
0x78: {  	v3 =	vshll.u32 v9, $0x10;
	v5 =	vadd.f32 v5, v8;
	v2 =	vadd.f32 v10, v2;
	v8 =	vld [tilespmem:s31+$0x8610]  }
0x79: {  	v9 =	vand.u32 $0xFFFF0000, v9;
	v10 =	vld [tilespmem:s31+$0x6600];
	v12 =	vshll.u32 v7, $0x10;
	v7 =	vand.u32 $0xFFFF0000, v7  }
0x7a: {  	v13 =	vshll.u32 v6, $0x10;
	v14 =	vld [tilespmem:s31+$0x8600];
	v5 =	vadd.f32 v12, v5;
	v2 =	vadd.f32 v7, v2  }
0x7b: {  	v6 =	vand.u32 $0xFFFF0000, v6;
	v7 =	vshll.u32 v11, $0x10;
	v11 =	vand.u32 $0xFFFF0000, v11  }
0x7c: {  	v12 =	vshll.u32 v4, $0x10;
	v5 =	vadd.f32 v7, v5;
	v2 =	vadd.f32 v11, v2  }
0x7d: {  	v3 =	vadd.f32 v13, v3;
	v7 =	vshll.u32 v8, $0x10;
	v8 =	vand.u32 $0xFFFF0000, v8  }
.Ltmp0:
0x7e: {  	v4 =	vand.u32 $0xFFFF0000, v4;
	v5 =	vadd.f32 v7, v5;
	v2 =	vadd.f32 v8, v2;
	(pc) =	sbr.rel @p1 .LBB2_3-.Ltmp0, $4  }
0x7f: {  	v6 =	vadd.f32 v6, v9;
	v8 =	vadd.f32 v12, v3;
	v9 =	vshll.u32 v10, $0x10  }
0x80: {  	v3 =	vand.u32 $0xFFFF0000, v10;
	v10 =	vmul.f32 $2.000000030e-01, v5;
	v11 =	vmul.f32 $2.000000030e-01, v2  }
0x81: {  	s7 =	sshra.s32 s13, $0x2;
	v7 =	vadd.f32 v4, v6;
	v6 =	vshll.u32 v14, $0x10;
	v4 =	vadd.f32 v9, v8  }
0x82: {  	s13 =	sadd.s32 $0x80, s13;
	v5 =	vand.u32 $0xFFFF0000, v14;
	v2 =	vld [tilespmem:s7+$0x610];
	v8 =	vadd.s32 $0x8000, v10;
	v9 =	vadd.s32 $0x8000, v11  }
0x83: {  	v10 =	vld [tilespmem:s7+$0x2610];
	v8 =	vshrl.u32 v8, $0x10;
	v9 =	vand.u32 $0xFFFF0000, v9  }
0x84: {  	v11 =	vld [tilespmem:s7+$0x600];
	v3 =	vadd.f32 v3, v7;
	v8 =	vor.u32 v9, v8  }
0x85: {  	v39 =	vld [tilespmem:s7+$0x4610];
	v4 =	vadd.f32 v6, v4;
	v0 =	vadd.s32 $0x8000, v0;
	v1 =	vadd.s32 $0x8000, v1;
	[tilespmem:s31+$0xC610] =	vst v8  }
0x86: {  	v0 =	vshrl.u32 v0, $0x10;
	v1 =	vand.u32 $0xFFFF0000, v1;
	v3 =	vadd.f32 v5, v3;
	v40 =	vld [tilespmem:s7+$0x2600]  }
0x87: {  	v0 =	vor.u32 v1, v0;
	v4 =	vmul.f32 $2.000000030e-01, v4;
	v41 =	vld [tilespmem:s7+$0x6610];
	v42 =	vshll.u32 v2, $0x10  }
0x88: {  	v43 =	vld [tilespmem:s7+$0x4600];
	[tilespmem:s0+$0xC600] =	vst v0;
	v45 =	vand.u32 $0xFFFF0000, v2;
	v3 =	vmul.f32 $2.000000030e-01, v3;
	v44 =	vshll.u32 v10, $0x10  }
0x89: {  	v48 =	vld [tilespmem:s7+$0x8610];
	v10 =	vand.u32 $0xFFFF0000, v10;
	v47 =	vshll.u32 v11, $0x10;
	v46 =	vadd.f32 v44, v42  }
0x8a: {  	v49 =	vshll.u32 v39, $0x10;
	v11 =	vand.u32 $0xFFFF0000, v11;
	v2 =	vadd.f32 v10, v45  }
0x8b: {  	v12 =	vld [tilespmem:s7+$0x6600];
	v9 =	vand.u32 $0xFFFF0000, v39;
	v0 =	vadd.f32 v49, v46;
	v50 =	vshll.u32 v40, $0x10  }
0x8c: {  	v2 =	vadd.f32 v9, v2;
	v51 =	vshll.u32 v41, $0x10;
	v6 =	vand.u32 $0xFFFF0000, v40  }
0x8d: {  	v5 =	vand.u32 $0xFFFF0000, v41;
	v52 =	vshll.u32 v43, $0x10;
	v1 =	vand.u32 $0xFFFF0000, v43  }
0x8e: {  	v54 =	vld [tilespmem:s7+$0x8600];
	v53 =	vadd.f32 v50, v47;
	v55 =	vshll.u32 v48, $0x10;
	v6 =	vadd.f32 v6, v11  }
0x8f: {  	v8 =	vand.u32 $0xFFFF0000, v48;
	v0 =	vadd.f32 v51, v0;
	v2 =	vadd.f32 v5, v2  }
0x90: {  	v56 =	vshll.u32 v12, $0x10;
	v5 =	vadd.f32 v52, v53;
	v1 =	vadd.f32 v1, v6  }
0x91: {  	v57 =	vand.u32 $0xFFFF0000, v12;
	v0 =	vadd.f32 v55, v0;
	v2 =	vadd.f32 v8, v2  }
0x92: {  	v4 =	vadd.s32 $0x8000, v4;
	v5 =	vadd.f32 v56, v5;
	v1 =	vadd.f32 v57, v1  }
0x93: {  	v58 =	vshll.u32 v54, $0x10;
	v7 =	vand.u32 $0xFFFF0000, v54;
	v0 =	vmul.f32 $2.000000030e-01, v0  }
0x94: {  	v2 =	vmul.f32 $2.000000030e-01, v2;
	v5 =	vadd.f32 v58, v5;
	v1 =	vadd.f32 v7, v1  }
0x95: {  	v59 =	vshrl.u32 v4, $0x10;
	v3 =	vadd.s32 $0x8000, v3;
	v0 =	vadd.s32 $0x8000, v0  }
0x96: {  	v2 =	vadd.s32 $0x8000, v2;
	v5 =	vmul.f32 $2.000000030e-01, v5;
	v1 =	vmul.f32 $2.000000030e-01, v1  }
0x97: {  	v3 =	vand.u32 $0xFFFF0000, v3;
	v0 =	vshrl.u32 v0, $0x10;
	v2 =	vand.u32 $0xFFFF0000, v2  }
0x98: {  	v0 =	vor.u32 v2, v0;
	v60 =	vadd.s32 $0x8000, v5;
	v1 =	vadd.s32 $0x8000, v1  }
0x99: {  	v61 =	vor.u32 v3, v59;
	[tilespmem:s7+$0xC610] =	vst v0;
	v62 =	vshrl.u32 v60, $0x10;
	v1 =	vand.u32 $0xFFFF0000, v1  }
0x9a: {  	[tilespmem:s31+$0xC600] =	vst v61;
	v63 =	vor.u32 v1, v62  }
.Ltmp1:
0x9b: {  	s31 =	sadd.s32 s11, s30;
	[tilespmem:s7+$0xC600] =	vst v63;
	(pc) =	sbr.rel @p0 .LBB2_2-.Ltmp1, $4  }
0x9c: {  	[hbm4b:s31+s4] =	stream.linear.scatter [tilespmem:s28], [sflag:$0x2], $0x2000, $0x38;
	[tilespmem:$0xE600] =	vst v63  }
0x9d: {  	_ =	swait.ge [sflag:s14], $0x2000  }
0x9e: {  	[sflag:s14] =	ssyncset.done $0x0  }
0x9f: {  	p1 =	por $0x0, $0x0;
	s0 =	simm.s32 $0x2000;
	[sflag:s14] =	ssyncadd.s32 $0xFFFFE000  }
0xa0: {  	s29 =	sadd.s32 $0x1, s29;
	s0 =	rddreg [dreg:$0x4]  }
0xa1: {  	p0 =	sne.s32 s29, s0  }
.Ltmp2:
0xa2: {  	_ = 	snop;
	(pc) =	sbr.rel @p0 .LBB2_1-.Ltmp2, $1  }
0xa3: {  	_ =	sdelay $0x3  }
0xa4: {  	_ =	sfence.sel $0x180000  }
0xa5: {  	[bflag:$0x0] =	sbarrier.arrive $0xFFFF  }
0xa6: {  	_ =	strace $0x9000004A  }
0xa7: {  	s0 =	stileid.u32;
	[bflag:$0x2] =	sbarrier.arrive $0xFFFF  }
0xa8: {  	p0 =	sne.s32 s0, $0x0;
	s0 =	rddreg [dreg:$0x3]  }
0xa9: {  	s0 =	sadd.s32 @!p0 $0x100000, s0  }
0xaa: {  	[sflag:s0] =	ssyncadd.tile.s32 @!p0 $0x1;
	_ =	shalt  }
.Lfunc_end2:
_tile_overlayer_lowered:
.L_overlay_start_2:
0xab: {  	(tag) =	ssettag $0x2  }
0xac: {  	s0 =	rddreg [dreg:$0x0];
	s2 =	stileid.u32  }
0xad: {  	s1 =	rddreg [dreg:$0x1];
	p0 =	sne.s32 s2, $0x0  }
0xae: {  	s3 =	rddreg [dreg:$0x2];
	[bflag:$0x3] =	sbarrier.arrive $0xFFFF;
	s2 =	simm.s32 @!p0 $0x1C02  }
0xaf: {  	[timem:s3], [sflag:s2] =	dma.local @!p0 [hbm:s0], s1  }
0xb0: {  	s0 =	simm.s32 @!p0 $0x2  }
0xb1: {  	_ =	swait.ge @!p0 [sflag:s0], s1  }
0xb2: {  	s1 =	ssub.s32 @!p0 $0x0, s1;
	[sflag:s0] =	ssyncset.done @!p0 $0x0  }
0xb3: {  	[sflag:s0] =	ssyncadd.s32 @!p0 s1  }
0xb4: {  	[bflag:$0x3] =	sbarrier.arrive $0xFFFF  }
0xb5: {  	_ =	shalt  }

</sc_bundles>
